<compile_context>
chip_gen: v7x
topology: tpu7x:2x2x1
jax: 0.10.2.dev20260603
libtpu: 0.0.44.dev20260713+nightly
codegen_flags: <defaults>
</compile_context>

<pallas_src>
import functools

import jax
import jax.numpy as jnp
from jax import lax
from jax.experimental import pallas as pl
from jax.experimental.pallas import tpu as pltpu
from jax.experimental.pallas import tpu_sc as plsc

N = 10000
D = 128
E = 320000
NC, NS, L = 2, 16, 16
NW = NC * NS
DH = D // NC
CH = 128
NPAD = 10112
RPT = NPAD // NS

NCHUNK = -(-E // (NS * CH * 2)) * 2
EPAD = NS * NCHUNK * CH


def _fill2d(ref, nrows, ncols, value):
  vec = jnp.full((16,), value, jnp.float32)

  def body(i, c):
    def inner(k, c2):
      ref[i, pl.ds(k * 16, 16)] = vec
      return c2

    return lax.fori_loop(0, ncols // 16, inner, c)

  lax.fori_loop(0, nrows, body, 0)


def _sc_aggregate(with_cnt):
  mesh = plsc.VectorSubcoreMesh(
      core_axis_name="c", subcore_axis_name="s", num_cores=NC, num_subcores=NS)

  out_type = [jax.ShapeDtypeStruct((NC, NPAD, DH), jnp.float32)]
  scratch = [
      pltpu.VMEM((NCHUNK, CH), jnp.int32),
      pltpu.VMEM((NCHUNK, CH), jnp.int32),
      pltpu.VMEM((2 * CH, DH), jnp.float32),
      pltpu.VMEM_SHARED((NPAD, DH), jnp.float32),
      pltpu.SemaphoreType.DMA,
      pltpu.SemaphoreType.DMA,
  ]
  if with_cnt:
    out_type.append(jax.ShapeDtypeStruct((NC, NPAD, L), jnp.float32))
    scratch += [
        pltpu.VMEM((CH, L), jnp.float32),
        pltpu.VMEM((CH, L), jnp.float32),
        pltpu.VMEM_SHARED((NPAD, L), jnp.float32),
        pltpu.SemaphoreType.DMA,
    ]

  @functools.partial(
      pl.kernel,
      out_type=tuple(out_type),
      mesh=mesh,
      compiler_params=pltpu.CompilerParams(use_tc_tiling_on_sc=False),
      scratch_types=scratch,
  )
  def k(x_hbm, src_hbm, dst_hbm, *rest):
    if with_cnt:
      (agg_out, cnt_out, src_v, dst_v, rows_v, agg_sh, sem, sem_b,
       ones_v, z16_v, cnt_sh, sem_o) = rest
    else:
      agg_out, src_v, dst_v, rows_v, agg_sh, sem, sem_b = rest
    cid = lax.axis_index("c")
    sid = lax.axis_index("s")
    wid = cid * NS + sid
    base = sid * RPT

    _fill2d(rows_v, 2 * CH, DH, 0.0)
    for t in range(RPT // (2 * CH)):
      pltpu.sync_copy(rows_v, agg_sh.at[pl.ds(base + t * 2 * CH, 2 * CH)])
    rem = RPT % (2 * CH)
    if rem:
      pltpu.sync_copy(rows_v.at[:rem], agg_sh.at[pl.ds(base + RPT - rem, rem)])
    if with_cnt:
      _fill2d(ones_v, CH, L, 1.0)
      _fill2d(z16_v, CH, L, 0.0)
      for t in range(RPT // CH):
        pltpu.sync_copy(z16_v, cnt_sh.at[pl.ds(base + t * CH, CH)])
      if rem:
        pltpu.sync_copy(z16_v.at[:rem],
                        cnt_sh.at[pl.ds(base + RPT - rem, rem)])
    pltpu.sync_copy(src_hbm.at[wid], src_v)
    pltpu.sync_copy(dst_hbm.at[sid], dst_v)
    plsc.subcore_barrier()

    def body(i, carry):
      j0 = 2 * i
      d0 = pltpu.async_copy(x_hbm.at[src_v.at[j0]], rows_v.at[:CH], sem)
      d1 = pltpu.async_copy(x_hbm.at[src_v.at[j0 + 1]], rows_v.at[CH:], sem_b)
      d0.wait()
      d1.wait()
      pltpu.sync_copy(rows_v.at[:CH], agg_sh.at[dst_v.at[j0]], add=True)
      pltpu.sync_copy(rows_v.at[CH:], agg_sh.at[dst_v.at[j0 + 1]], add=True)
      if with_cnt:
        pltpu.sync_copy(ones_v, cnt_sh.at[dst_v.at[j0 + cid]], add=True)
      return carry

    lax.fori_loop(0, NCHUNK // 2, body, 0)
    plsc.subcore_barrier()

    pltpu.sync_copy(agg_sh.at[pl.ds(base, RPT)],
                    agg_out.at[cid, pl.ds(base, RPT)])
    if with_cnt:
      pltpu.sync_copy(cnt_sh.at[pl.ds(base, RPT)],
                      cnt_out.at[cid, pl.ds(base, RPT)])

  return k


_sc_agg_cnt = _sc_aggregate(True)
_sc_agg = _sc_aggregate(False)

R = 1000


def _tc_dense(first_layer):
  def body(aggp, cntp, x, wl, wr, b, out, *out2):
    agg = jnp.concatenate([aggp[0], aggp[1]], axis=1)
    cnt = jnp.maximum(cntp[0, :, :1] + cntp[1, :, :1], 1.0)
    mean = agg / cnt
    acc = lax.dot_general(mean, wl[...], (((1,), (1,)), ((), ())),
                          preferred_element_type=jnp.float32)
    acc += lax.dot_general(x[...], wr[...], (((1,), (1,)), ((), ())),
                           preferred_element_type=jnp.float32)
    acc += b[...]
    if first_layer:
      h = jnp.maximum(acc, 0.0)
      out[...] = h
      out2[0][0] = h[:, :DH]
      out2[0][1] = h[:, DH:]
    else:
      out[...] = acc

  out_shape = [jax.ShapeDtypeStruct((N, D), jnp.float32)]
  out_specs = [pl.BlockSpec((R, D), lambda i: (i, 0))]
  if first_layer:
    out_shape.append(jax.ShapeDtypeStruct((NC, N, DH), jnp.float32))
    out_specs.append(pl.BlockSpec((NC, R, DH), lambda i: (0, i, 0)))

  return pl.pallas_call(
      body,
      grid=(N // R,),
      in_specs=[
          pl.BlockSpec((NC, R, DH), lambda i: (0, i, 0)),
          pl.BlockSpec((NC, R, L), lambda i: (0, i, 0)),
          pl.BlockSpec((R, D), lambda i: (i, 0)),
          pl.BlockSpec((D, D), lambda i: (0, 0)),
          pl.BlockSpec((D, D), lambda i: (0, 0)),
          pl.BlockSpec((1, D), lambda i: (0, 0)),
      ],
      out_specs=out_specs if first_layer else out_specs[0],
      out_shape=tuple(out_shape) if first_layer else out_shape[0],
  )


_tc1 = _tc_dense(True)
_tc2 = _tc_dense(False)


def kernel(x, edge_index, W1l, b1l, W1r, W2l, b2l, W2r):
  src = edge_index[0].astype(jnp.int32)
  dst = edge_index[1].astype(jnp.int32)
  pad = EPAD - E
  srcs = jnp.concatenate([src, jnp.zeros((pad,), jnp.int32)]).reshape(
      NS, NCHUNK, CH)
  dst_r = jnp.concatenate([dst, jnp.full((pad,), N, jnp.int32)]).reshape(
      NS, NCHUNK, CH)
  src2_r = jnp.concatenate([srcs[None], srcs[None] + N]).reshape(
      NW, NCHUNK, CH)

  x2 = jnp.concatenate([x[:, :DH], x[:, DH:]], axis=0)
  agg_p, cnt_p = _sc_agg_cnt(x2, src2_r, dst_r)
  h, h2 = _tc1(agg_p, cnt_p, x, W1l, W1r, b1l.reshape(1, D))

  (agg_p2,) = _sc_agg(h2.reshape(NC * N, DH), src2_r, dst_r)
  return _tc2(agg_p2, cnt_p, h, W2l, W2r, b2l.reshape(1, D))

# --- scband reference (transcript-rebuilt; emitter-appended) ---
"""Pipeline reference for scband-graph-sage-49804440764417 (READ-ONLY COPY).

The authoritative reference and input builder live on the scoring server;
editing this copy changes nothing except your own understanding.
"""

import jax, jax.numpy as jnp
import numpy as np

N_NODES = 10000
N_EDGES = 320000
D_IN = 128
D_HID = 128
D_OUT = 128


def setup_inputs(seed: int = 0) -> dict:
    key = jax.random.key(seed)
    ks = jax.random.split(key, 9)
    x = jax.random.normal(ks[0], (N_NODES, D_IN), dtype=jnp.float32)
    edge_index = jax.random.randint(ks[1], (2, N_EDGES), 0, N_NODES, dtype=jnp.int64)
    s1 = 1.0 / np.sqrt(D_IN)
    s2 = 1.0 / np.sqrt(D_HID)
    # SAGEConv layer 1: lin_l (aggregated neighbors, with bias), lin_r (root, no bias)
    W1l = jax.random.uniform(ks[2], (D_HID, D_IN), jnp.float32, -s1, s1)
    b1l = jax.random.uniform(ks[3], (D_HID,), jnp.float32, -s1, s1)
    W1r = jax.random.uniform(ks[4], (D_HID, D_IN), jnp.float32, -s1, s1)
    # SAGEConv layer 2
    W2l = jax.random.uniform(ks[5], (D_OUT, D_HID), jnp.float32, -s2, s2)
    b2l = jax.random.uniform(ks[6], (D_OUT,), jnp.float32, -s2, s2)
    W2r = jax.random.uniform(ks[7], (D_OUT, D_HID), jnp.float32, -s2, s2)
    return {"x": x, "edge_index": edge_index, "W1l": W1l, "b1l": b1l, "W1r": W1r,
            "W2l": W2l, "b2l": b2l, "W2r": W2r}


def _sage_conv(x, edge_index, Wl, bl, Wr):
    src = edge_index[0]
    dst = edge_index[1]
    msg = jnp.take(x, src, axis=0)                      # gather source features
    agg = jax.ops.segment_sum(msg, dst, num_segments=x.shape[0])
    cnt = jax.ops.segment_sum(jnp.ones((edge_index.shape[1],), dtype=x.dtype), dst,
                              num_segments=x.shape[0])
    mean = agg / jnp.maximum(cnt, 1.0)[:, None]         # mean aggregation
    return mean @ Wl.T + bl + x @ Wr.T                  # lin_l(agg) + lin_r(x)


def reference(x, edge_index, W1l, b1l, W1r, W2l, b2l, W2r):
    h = _sage_conv(x, edge_index, W1l, b1l, W1r)
    h = jax.nn.relu(h)
    out = _sage_conv(h, edge_index, W2l, b2l, W2r)
    return out

if __name__ == "__main__":
    import jax
    _d = setup_inputs()
    print(jax.jit(kernel)(*tuple(_d.values())))

</pallas_src>

<mosaic_0001>
#map = affine_map<(d0, d1) -> (0, 0)>
#map1 = affine_map<(d0, d1) -> (0, 0, 0)>
module attributes {stable_mosaic.version = 14 : i64} {
  func.func @k(%arg0: i32, %arg1: i32, %arg2: memref<20000x64xf32, #tpu.memory_space<hbm>>, %arg3: memref<32x158x128xi32, #tpu.memory_space<hbm>>, %arg4: memref<16x158x128xi32, #tpu.memory_space<hbm>>, %arg5: memref<2x10112x64xf32, #tpu.memory_space<hbm>>, %arg6: memref<158x128xi32, #tpu.memory_space<vmem>>, %arg7: memref<158x128xi32, #tpu.memory_space<vmem>>, %arg8: memref<256x64xf32, #tpu.memory_space<vmem>>, %arg9: memref<10112x64xf32, #tpu.memory_space<vmem_shared>>, %arg10: memref<!tpu.dma_semaphore, #tpu.memory_space<semaphore_mem>>, %arg11: memref<!tpu.dma_semaphore, #tpu.memory_space<semaphore_mem>>) attributes {dimension_semantics = [#tpu.dimension_semantics<core_parallel>, #tpu.dimension_semantics<subcore_parallel>], iteration_bounds = array<i64: 2, 16>, scalar_prefetch = 0 : i64, scratch_operands = 6 : i64, tpu.core_type = #tpu.core_type<sc_vector_subcore>, window_params = [{transform_indices = #map}, {transform_indices = #map1}, {transform_indices = #map1}, {transform_indices = #map1}]} {
    %mul3A = arith.constant 16 : i32
    %mul3A_0 = arith.muli %arg0, %mul3A : i32
    %add3A = arith.addi %mul3A_0, %arg1 : i32
    %mul3A_1 = arith.constant 632 : i32
    %mul3A_2 = arith.muli %arg1, %mul3A_1 : i32
    %broadcast_in_dim3A = arith.constant 0.000000e+00 : f32
    %broadcast_in_dim3A_3 = vector.broadcast %broadcast_in_dim3A : f32 to vector<16xf32>
    %scan3A = arith.constant 0 : i32
    %scan3A_4 = arith.constant 0 : i32
    %scan3A_5 = arith.constant 256 : i32
    %scan3A_6 = arith.addi %scan3A_4, %scan3A_5 : i32
    %scan3A_7 = arith.constant 1 : i32
    scf.for %scan3A_23 = %scan3A_4 to %scan3A_6 step %scan3A_7  : i32 {
      %scan3A_24 = arith.constant 0 : i32
      %scan3A_25 = arith.constant 4 : i32
      %scan3A_26 = arith.addi %scan3A_24, %scan3A_25 : i32
      %scan3A_27 = arith.constant 1 : i32
      scf.for %scan3A_29 = %scan3A_24 to %scan3A_26 step %scan3A_27  : i32 {
        %mul3A_30 = arith.constant 16 : i32
        %mul3A_31 = arith.muli %scan3A_29, %mul3A_30 : i32
        %swap3A = arith.index_cast %scan3A_23 : i32 to index
        %swap3A_32 = arith.index_cast %mul3A_31 : i32 to index
        %swap3A_33 = tpu.vector_load %arg8[%swap3A, %swap3A_32] {strides = array<i32>} : memref<256x64xf32, #tpu.memory_space<vmem>>, vector<1x16xf32>,
        %swap3A_34 = vector.shape_cast %swap3A_33 : vector<1x16xf32> to vector<16xf32>
        %swap3A_35 = vector.shape_cast %broadcast_in_dim3A_3 : vector<16xf32> to vector<1x16xf32>
        tpu.vector_store %arg8[%swap3A, %swap3A_32], %swap3A_35 {strides = array<i32>} : memref<256x64xf32, #tpu.memory_space<vmem>>, vector<1x16xf32>,
      }
      %scan3A_28 = arith.constant 4 : i32
    }
    %scan3A_8 = arith.constant 256 : i32
    %add3A_9 = arith.constant 0 : i32
    %add3A_10 = arith.addi %mul3A_2, %add3A_9 : i32
    "tpu.region"() ({
      %run_scoped3A = tpu.sem_alloc : memref<!tpu.dma_semaphore, #tpu.memory_space<semaphore_mem>>
      %dma_start3A = arith.constant 0 : i32
      %dma_start3A_23 = tpu.memref_slice %arg9[%add3A_10, %dma_start3A] : memref<10112x64xf32, #tpu.memory_space<vmem_shared>> -> memref<256x64xf32, #tpu.memory_space<vmem_shared>>
      %dma_start3A_24 = arith.constant 0 : i32
      %dma_start3A_25 = tpu.memref_slice %arg9[%add3A_10, %dma_start3A_24] : memref<10112x64xf32, #tpu.memory_space<vmem_shared>> -> memref<256x64xf32, #tpu.memory_space<vmem_shared>>
      tpu.enqueue_dma source(%arg8 : memref<256x64xf32, #tpu.memory_space<vmem>>) target(%dma_start3A_25 : memref<256x64xf32, #tpu.memory_space<vmem_shared>>) target_semaphore(%run_scoped3A : memref<!tpu.dma_semaphore, #tpu.memory_space<semaphore_mem>>)
      %dma_wait3A = arith.constant 0 : i32
      %dma_wait3A_26 = tpu.memref_slice %arg9[%add3A_10, %dma_wait3A] : memref<10112x64xf32, #tpu.memory_space<vmem_shared>> -> memref<256x64xf32, #tpu.memory_space<vmem_shared>>
      %dma_wait3A_27 = arith.constant 0 : i32
      %dma_wait3A_28 = tpu.memref_slice %arg9[%add3A_10, %dma_wait3A_27] : memref<10112x64xf32, #tpu.memory_space<vmem_shared>> -> memref<256x64xf32, #tpu.memory_space<vmem_shared>>
      tpu.wait_dma2 semaphore(%run_scoped3A : memref<!tpu.dma_semaphore, #tpu.memory_space<semaphore_mem>>) src(%arg8 : memref<256x64xf32, #tpu.memory_space<vmem>>) dst(%dma_wait3A_28 : memref<256x64xf32, #tpu.memory_space<vmem_shared>>)
      tpu.yield
    }) : () -> ()
    %add3A_11 = arith.constant 256 : i32
    %add3A_12 = arith.addi %mul3A_2, %add3A_11 : i32
    "tpu.region"() ({
      %run_scoped3A = tpu.sem_alloc : memref<!tpu.dma_semaphore, #tpu.memory_space<semaphore_mem>>
      %dma_start3A = arith.constant 0 : i32
      %dma_start3A_23 = tpu.memref_slice %arg9[%add3A_12, %dma_start3A] : memref<10112x64xf32, #tpu.memory_space<vmem_shared>> -> memref<256x64xf32, #tpu.memory_space<vmem_shared>>
      %dma_start3A_24 = arith.constant 0 : i32
      %dma_start3A_25 = tpu.memref_slice %arg9[%add3A_12, %dma_start3A_24] : memref<10112x64xf32, #tpu.memory_space<vmem_shared>> -> memref<256x64xf32, #tpu.memory_space<vmem_shared>>
      tpu.enqueue_dma source(%arg8 : memref<256x64xf32, #tpu.memory_space<vmem>>) target(%dma_start3A_25 : memref<256x64xf32, #tpu.memory_space<vmem_shared>>) target_semaphore(%run_scoped3A : memref<!tpu.dma_semaphore, #tpu.memory_space<semaphore_mem>>)
      %dma_wait3A = arith.constant 0 : i32
      %dma_wait3A_26 = tpu.memref_slice %arg9[%add3A_12, %dma_wait3A] : memref<10112x64xf32, #tpu.memory_space<vmem_shared>> -> memref<256x64xf32, #tpu.memory_space<vmem_shared>>
      %dma_wait3A_27 = arith.constant 0 : i32
      %dma_wait3A_28 = tpu.memref_slice %arg9[%add3A_12, %dma_wait3A_27] : memref<10112x64xf32, #tpu.memory_space<vmem_shared>> -> memref<256x64xf32, #tpu.memory_space<vmem_shared>>
      tpu.wait_dma2 semaphore(%run_scoped3A : memref<!tpu.dma_semaphore, #tpu.memory_space<semaphore_mem>>) src(%arg8 : memref<256x64xf32, #tpu.memory_space<vmem>>) dst(%dma_wait3A_28 : memref<256x64xf32, #tpu.memory_space<vmem_shared>>)
      tpu.yield
    }) : () -> ()
    %add3A_13 = arith.constant 632 : i32
    %add3A_14 = arith.addi %mul3A_2, %add3A_13 : i32
    %sub3A = arith.constant 120 : i32
    %sub3A_15 = arith.subi %add3A_14, %sub3A : i32
    "tpu.region"() ({
      %run_scoped3A = tpu.sem_alloc : memref<!tpu.dma_semaphore, #tpu.memory_space<semaphore_mem>>
      %dma_start3A = arith.constant 0 : i32
      %dma_start3A_23 = arith.constant 0 : i32
      %dma_start3A_24 = tpu.memref_slice %arg8[%dma_start3A, %dma_start3A_23] : memref<256x64xf32, #tpu.memory_space<vmem>> -> memref<120x64xf32, #tpu.memory_space<vmem>>
      %dma_start3A_25 = arith.constant 0 : i32
      %dma_start3A_26 = tpu.memref_slice %arg9[%sub3A_15, %dma_start3A_25] : memref<10112x64xf32, #tpu.memory_space<vmem_shared>> -> memref<120x64xf32, #tpu.memory_space<vmem_shared>>
      %dma_start3A_27 = arith.constant 0 : i32
      %dma_start3A_28 = tpu.memref_slice %arg9[%sub3A_15, %dma_start3A_27] : memref<10112x64xf32, #tpu.memory_space<vmem_shared>> -> memref<120x64xf32, #tpu.memory_space<vmem_shared>>
      %dma_start3A_29 = arith.constant 0 : i32
      %dma_start3A_30 = arith.constant 0 : i32
      %dma_start3A_31 = tpu.memref_slice %arg8[%dma_start3A_29, %dma_start3A_30] : memref<256x64xf32, #tpu.memory_space<vmem>> -> memref<120x64xf32, #tpu.memory_space<vmem>>
      tpu.enqueue_dma source(%dma_start3A_31 : memref<120x64xf32, #tpu.memory_space<vmem>>) target(%dma_start3A_28 : memref<120x64xf32, #tpu.memory_space<vmem_shared>>) target_semaphore(%run_scoped3A : memref<!tpu.dma_semaphore, #tpu.memory_space<semaphore_mem>>)
      %dma_wait3A = arith.constant 0 : i32
      %dma_wait3A_32 = arith.constant 0 : i32
      %dma_wait3A_33 = tpu.memref_slice %arg8[%dma_wait3A, %dma_wait3A_32] : memref<256x64xf32, #tpu.memory_space<vmem>> -> memref<120x64xf32, #tpu.memory_space<vmem>>
      %dma_wait3A_34 = arith.constant 0 : i32
      %dma_wait3A_35 = tpu.memref_slice %arg9[%sub3A_15, %dma_wait3A_34] : memref<10112x64xf32, #tpu.memory_space<vmem_shared>> -> memref<120x64xf32, #tpu.memory_space<vmem_shared>>
      %dma_wait3A_36 = arith.constant 0 : i32
      %dma_wait3A_37 = tpu.memref_slice %arg9[%sub3A_15, %dma_wait3A_36] : memref<10112x64xf32, #tpu.memory_space<vmem_shared>> -> memref<120x64xf32, #tpu.memory_space<vmem_shared>>
      %dma_wait3A_38 = arith.constant 0 : i32
      %dma_wait3A_39 = arith.constant 0 : i32
      %dma_wait3A_40 = tpu.memref_slice %arg8[%dma_wait3A_38, %dma_wait3A_39] : memref<256x64xf32, #tpu.memory_space<vmem>> -> memref<120x64xf32, #tpu.memory_space<vmem>>
      tpu.wait_dma2 semaphore(%run_scoped3A : memref<!tpu.dma_semaphore, #tpu.memory_space<semaphore_mem>>) src(%dma_wait3A_40 : memref<120x64xf32, #tpu.memory_space<vmem>>) dst(%dma_wait3A_37 : memref<120x64xf32, #tpu.memory_space<vmem_shared>>)
      tpu.yield
    }) : () -> ()
    "tpu.region"() ({
      %run_scoped3A = tpu.sem_alloc : memref<!tpu.dma_semaphore, #tpu.memory_space<semaphore_mem>>
      %dma_start3A = arith.constant 0 : i32
      %dma_start3A_23 = arith.constant 0 : i32
      %dma_start3A_24 = tpu.memref_slice %arg3[%add3A, %dma_start3A, %dma_start3A_23] : memref<32x158x128xi32, #tpu.memory_space<hbm>> -> memref<1x158x128xi32, #tpu.memory_space<hbm>>
      %dma_start3A_25 = tpu.memref_squeeze %dma_start3A_24 : memref<1x158x128xi32, #tpu.memory_space<hbm>> -> memref<158x128xi32, #tpu.memory_space<hbm>>
      %dma_start3A_26 = arith.constant 0 : i32
      %dma_start3A_27 = arith.constant 0 : i32
      %dma_start3A_28 = tpu.memref_slice %arg3[%add3A, %dma_start3A_26, %dma_start3A_27] : memref<32x158x128xi32, #tpu.memory_space<hbm>> -> memref<1x158x128xi32, #tpu.memory_space<hbm>>
      %dma_start3A_29 = tpu.memref_squeeze %dma_start3A_28 : memref<1x158x128xi32, #tpu.memory_space<hbm>> -> memref<158x128xi32, #tpu.memory_space<hbm>>
      tpu.enqueue_dma source(%dma_start3A_29 : memref<158x128xi32, #tpu.memory_space<hbm>>) target(%arg6 : memref<158x128xi32, #tpu.memory_space<vmem>>) target_semaphore(%run_scoped3A : memref<!tpu.dma_semaphore, #tpu.memory_space<semaphore_mem>>)
      %dma_wait3A = arith.constant 0 : i32
      %dma_wait3A_30 = arith.constant 0 : i32
      %dma_wait3A_31 = tpu.memref_slice %arg3[%add3A, %dma_wait3A, %dma_wait3A_30] : memref<32x158x128xi32, #tpu.memory_space<hbm>> -> memref<1x158x128xi32, #tpu.memory_space<hbm>>
      %dma_wait3A_32 = tpu.memref_squeeze %dma_wait3A_31 : memref<1x158x128xi32, #tpu.memory_space<hbm>> -> memref<158x128xi32, #tpu.memory_space<hbm>>
      %dma_wait3A_33 = arith.constant 0 : i32
      %dma_wait3A_34 = arith.constant 0 : i32
      %dma_wait3A_35 = tpu.memref_slice %arg3[%add3A, %dma_wait3A_33, %dma_wait3A_34] : memref<32x158x128xi32, #tpu.memory_space<hbm>> -> memref<1x158x128xi32, #tpu.memory_space<hbm>>
      %dma_wait3A_36 = tpu.memref_squeeze %dma_wait3A_35 : memref<1x158x128xi32, #tpu.memory_space<hbm>> -> memref<158x128xi32, #tpu.memory_space<hbm>>
      tpu.wait_dma2 semaphore(%run_scoped3A : memref<!tpu.dma_semaphore, #tpu.memory_space<semaphore_mem>>) src(%dma_wait3A_36 : memref<158x128xi32, #tpu.memory_space<hbm>>) dst(%arg6 : memref<158x128xi32, #tpu.memory_space<vmem>>)
      tpu.yield
    }) : () -> ()
    "tpu.region"() ({
      %run_scoped3A = tpu.sem_alloc : memref<!tpu.dma_semaphore, #tpu.memory_space<semaphore_mem>>
      %dma_start3A = arith.constant 0 : i32
      %dma_start3A_23 = arith.constant 0 : i32
      %dma_start3A_24 = tpu.memref_slice %arg4[%arg1, %dma_start3A, %dma_start3A_23] : memref<16x158x128xi32, #tpu.memory_space<hbm>> -> memref<1x158x128xi32, #tpu.memory_space<hbm>>
      %dma_start3A_25 = tpu.memref_squeeze %dma_start3A_24 : memref<1x158x128xi32, #tpu.memory_space<hbm>> -> memref<158x128xi32, #tpu.memory_space<hbm>>
      %dma_start3A_26 = arith.constant 0 : i32
      %dma_start3A_27 = arith.constant 0 : i32
      %dma_start3A_28 = tpu.memref_slice %arg4[%arg1, %dma_start3A_26, %dma_start3A_27] : memref<16x158x128xi32, #tpu.memory_space<hbm>> -> memref<1x158x128xi32, #tpu.memory_space<hbm>>
      %dma_start3A_29 = tpu.memref_squeeze %dma_start3A_28 : memref<1x158x128xi32, #tpu.memory_space<hbm>> -> memref<158x128xi32, #tpu.memory_space<hbm>>
      tpu.enqueue_dma source(%dma_start3A_29 : memref<158x128xi32, #tpu.memory_space<hbm>>) target(%arg7 : memref<158x128xi32, #tpu.memory_space<vmem>>) target_semaphore(%run_scoped3A : memref<!tpu.dma_semaphore, #tpu.memory_space<semaphore_mem>>)
      %dma_wait3A = arith.constant 0 : i32
      %dma_wait3A_30 = arith.constant 0 : i32
      %dma_wait3A_31 = tpu.memref_slice %arg4[%arg1, %dma_wait3A, %dma_wait3A_30] : memref<16x158x128xi32, #tpu.memory_space<hbm>> -> memref<1x158x128xi32, #tpu.memory_space<hbm>>
      %dma_wait3A_32 = tpu.memref_squeeze %dma_wait3A_31 : memref<1x158x128xi32, #tpu.memory_space<hbm>> -> memref<158x128xi32, #tpu.memory_space<hbm>>
      %dma_wait3A_33 = arith.constant 0 : i32
      %dma_wait3A_34 = arith.constant 0 : i32
      %dma_wait3A_35 = tpu.memref_slice %arg4[%arg1, %dma_wait3A_33, %dma_wait3A_34] : memref<16x158x128xi32, #tpu.memory_space<hbm>> -> memref<1x158x128xi32, #tpu.memory_space<hbm>>
      %dma_wait3A_36 = tpu.memref_squeeze %dma_wait3A_35 : memref<1x158x128xi32, #tpu.memory_space<hbm>> -> memref<158x128xi32, #tpu.memory_space<hbm>>
      tpu.wait_dma2 semaphore(%run_scoped3A : memref<!tpu.dma_semaphore, #tpu.memory_space<semaphore_mem>>) src(%dma_wait3A_36 : memref<158x128xi32, #tpu.memory_space<hbm>>) dst(%arg7 : memref<158x128xi32, #tpu.memory_space<vmem>>)
      tpu.yield
    }) : () -> ()
    %barrier3A = arith.constant 0 : index
    tpu.barrier barrier_id(%barrier3A)
    %scan3A_16 = arith.constant 0 : i32
    %scan3A_17 = arith.constant 0 : i32
    %scan3A_18 = arith.constant 79 : i32
    %scan3A_19 = arith.addi %scan3A_17, %scan3A_18 : i32
    %scan3A_20 = arith.constant 1 : i32
    scf.for %scan3A_23 = %scan3A_17 to %scan3A_19 step %scan3A_20  : i32 {
      %mul3A_24 = arith.constant 2 : i32
      %mul3A_25 = arith.muli %mul3A_24, %scan3A_23 : i32
      %dma_start3A = arith.constant 0 : i32
      %dma_start3A_26 = arith.constant 0 : i32
      %dma_start3A_27 = tpu.memref_slice %arg8[%dma_start3A, %dma_start3A_26] : memref<256x64xf32, #tpu.memory_space<vmem>> -> memref<128x64xf32, #tpu.memory_space<vmem>>
      %dma_start3A_28 = arith.constant 0 : i32
      %dma_start3A_29 = tpu.memref_slice %arg6[%mul3A_25, %dma_start3A_28] : memref<158x128xi32, #tpu.memory_space<vmem>> -> memref<1x128xi32, #tpu.memory_space<vmem>>
      %dma_start3A_30 = tpu.memref_squeeze %dma_start3A_29 : memref<1x128xi32, #tpu.memory_space<vmem>> -> memref<128xi32, #tpu.memory_space<vmem>>
      %dma_start3A_31 = arith.constant 0 : i32
      %dma_start3A_32 = arith.constant 0 : i32
      %dma_start3A_33 = tpu.memref_slice %arg2[%dma_start3A_31, %dma_start3A_32] : memref<20000x64xf32, #tpu.memory_space<hbm>> -> memref<20000x64xf32, #tpu.memory_space<hbm>>
      tpu.enqueue_indirect_dma source(%dma_start3A_33 : memref<20000x64xf32, #tpu.memory_space<hbm>>) target(%dma_start3A_27 : memref<128x64xf32, #tpu.memory_space<vmem>>) offsets(%dma_start3A_30 : memref<128xi32, #tpu.memory_space<vmem>>) semaphore(%arg10 : memref<!tpu.dma_semaphore, #tpu.memory_space<semaphore_mem>>)
      %add3A_34 = arith.constant 1 : i32
      %add3A_35 = arith.addi %mul3A_25, %add3A_34 : i32
      %dma_start3A_36 = arith.constant 128 : i32
      %dma_start3A_37 = arith.constant 0 : i32
      %dma_start3A_38 = tpu.memref_slice %arg8[%dma_start3A_36, %dma_start3A_37] : memref<256x64xf32, #tpu.memory_space<vmem>> -> memref<128x64xf32, #tpu.memory_space<vmem>>
      %dma_start3A_39 = arith.constant 0 : i32
      %dma_start3A_40 = tpu.memref_slice %arg6[%add3A_35, %dma_start3A_39] : memref<158x128xi32, #tpu.memory_space<vmem>> -> memref<1x128xi32, #tpu.memory_space<vmem>>
      %dma_start3A_41 = tpu.memref_squeeze %dma_start3A_40 : memref<1x128xi32, #tpu.memory_space<vmem>> -> memref<128xi32, #tpu.memory_space<vmem>>
      %dma_start3A_42 = arith.constant 0 : i32
      %dma_start3A_43 = arith.constant 0 : i32
      %dma_start3A_44 = tpu.memref_slice %arg2[%dma_start3A_42, %dma_start3A_43] : memref<20000x64xf32, #tpu.memory_space<hbm>> -> memref<20000x64xf32, #tpu.memory_space<hbm>>
      tpu.enqueue_indirect_dma source(%dma_start3A_44 : memref<20000x64xf32, #tpu.memory_space<hbm>>) target(%dma_start3A_38 : memref<128x64xf32, #tpu.memory_space<vmem>>) offsets(%dma_start3A_41 : memref<128xi32, #tpu.memory_space<vmem>>) semaphore(%arg11 : memref<!tpu.dma_semaphore, #tpu.memory_space<semaphore_mem>>)
      %dma_wait3A = arith.constant 0 : i32
      %dma_wait3A_45 = arith.constant 0 : i32
      %dma_wait3A_46 = tpu.memref_slice %arg8[%dma_wait3A, %dma_wait3A_45] : memref<256x64xf32, #tpu.memory_space<vmem>> -> memref<128x64xf32, #tpu.memory_space<vmem>>
      %dma_wait3A_47 = arith.constant 0 : i32
      %dma_wait3A_48 = tpu.memref_slice %arg6[%mul3A_25, %dma_wait3A_47] : memref<158x128xi32, #tpu.memory_space<vmem>> -> memref<1x128xi32, #tpu.memory_space<vmem>>
      %dma_wait3A_49 = tpu.memref_squeeze %dma_wait3A_48 : memref<1x128xi32, #tpu.memory_space<vmem>> -> memref<128xi32, #tpu.memory_space<vmem>>
      %dma_wait3A_50 = arith.constant 0 : i32
      %dma_wait3A_51 = arith.constant 0 : i32
      %dma_wait3A_52 = tpu.memref_slice %arg2[%dma_wait3A_50, %dma_wait3A_51] : memref<20000x64xf32, #tpu.memory_space<hbm>> -> memref<20000x64xf32, #tpu.memory_space<hbm>>
      tpu.wait_indirect_dma semaphore(%arg10 : memref<!tpu.dma_semaphore, #tpu.memory_space<semaphore_mem>>) src(%dma_wait3A_52 : memref<20000x64xf32, #tpu.memory_space<hbm>>) dst(%dma_wait3A_46 : memref<128x64xf32, #tpu.memory_space<vmem>>)
      %dma_wait3A_53 = arith.constant 128 : i32
      %dma_wait3A_54 = arith.constant 0 : i32
      %dma_wait3A_55 = tpu.memref_slice %arg8[%dma_wait3A_53, %dma_wait3A_54] : memref<256x64xf32, #tpu.memory_space<vmem>> -> memref<128x64xf32, #tpu.memory_space<vmem>>
      %dma_wait3A_56 = arith.constant 0 : i32
      %dma_wait3A_57 = tpu.memref_slice %arg6[%add3A_35, %dma_wait3A_56] : memref<158x128xi32, #tpu.memory_space<vmem>> -> memref<1x128xi32, #tpu.memory_space<vmem>>
      %dma_wait3A_58 = tpu.memref_squeeze %dma_wait3A_57 : memref<1x128xi32, #tpu.memory_space<vmem>> -> memref<128xi32, #tpu.memory_space<vmem>>
      %dma_wait3A_59 = arith.constant 0 : i32
      %dma_wait3A_60 = arith.constant 0 : i32
      %dma_wait3A_61 = tpu.memref_slice %arg2[%dma_wait3A_59, %dma_wait3A_60] : memref<20000x64xf32, #tpu.memory_space<hbm>> -> memref<20000x64xf32, #tpu.memory_space<hbm>>
      tpu.wait_indirect_dma semaphore(%arg11 : memref<!tpu.dma_semaphore, #tpu.memory_space<semaphore_mem>>) src(%dma_wait3A_61 : memref<20000x64xf32, #tpu.memory_space<hbm>>) dst(%dma_wait3A_55 : memref<128x64xf32, #tpu.memory_space<vmem>>)
      "tpu.region"() ({
        %run_scoped3A = tpu.sem_alloc : memref<!tpu.dma_semaphore, #tpu.memory_space<semaphore_mem>>
        %dma_start3A_64 = arith.constant 0 : i32
        %dma_start3A_65 = arith.constant 0 : i32
        %dma_start3A_66 = tpu.memref_slice %arg8[%dma_start3A_64, %dma_start3A_65] : memref<256x64xf32, #tpu.memory_space<vmem>> -> memref<128x64xf32, #tpu.memory_space<vmem>>
        %dma_start3A_67 = arith.constant 0 : i32
        %dma_start3A_68 = tpu.memref_slice %arg7[%mul3A_25, %dma_start3A_67] : memref<158x128xi32, #tpu.memory_space<vmem>> -> memref<1x128xi32, #tpu.memory_space<vmem>>
        %dma_start3A_69 = tpu.memref_squeeze %dma_start3A_68 : memref<1x128xi32, #tpu.memory_space<vmem>> -> memref<128xi32, #tpu.memory_space<vmem>>
        %dma_start3A_70 = arith.constant 0 : i32
        %dma_start3A_71 = arith.constant 0 : i32
        %dma_start3A_72 = tpu.memref_slice %arg9[%dma_start3A_70, %dma_start3A_71] : memref<10112x64xf32, #tpu.memory_space<vmem_shared>> -> memref<10112x64xf32, #tpu.memory_space<vmem_shared>>
        tpu.enqueue_indirect_dma source(%dma_start3A_66 : memref<128x64xf32, #tpu.memory_space<vmem>>) target(%dma_start3A_72 : memref<10112x64xf32, #tpu.memory_space<vmem_shared>>) offsets(%dma_start3A_69 : memref<128xi32, #tpu.memory_space<vmem>>) semaphore(%run_scoped3A : memref<!tpu.dma_semaphore, #tpu.memory_space<semaphore_mem>>) {add = true}
        %dma_wait3A_73 = arith.constant 0 : i32
        %dma_wait3A_74 = arith.constant 0 : i32
        %dma_wait3A_75 = tpu.memref_slice %arg8[%dma_wait3A_73, %dma_wait3A_74] : memref<256x64xf32, #tpu.memory_space<vmem>> -> memref<128x64xf32, #tpu.memory_space<vmem>>
        %dma_wait3A_76 = arith.constant 0 : i32
        %dma_wait3A_77 = tpu.memref_slice %arg7[%mul3A_25, %dma_wait3A_76] : memref<158x128xi32, #tpu.memory_space<vmem>> -> memref<1x128xi32, #tpu.memory_space<vmem>>
        %dma_wait3A_78 = tpu.memref_squeeze %dma_wait3A_77 : memref<1x128xi32, #tpu.memory_space<vmem>> -> memref<128xi32, #tpu.memory_space<vmem>>
        %dma_wait3A_79 = arith.constant 0 : i32
        %dma_wait3A_80 = arith.constant 0 : i32
        %dma_wait3A_81 = tpu.memref_slice %arg9[%dma_wait3A_79, %dma_wait3A_80] : memref<10112x64xf32, #tpu.memory_space<vmem_shared>> -> memref<10112x64xf32, #tpu.memory_space<vmem_shared>>
        tpu.wait_indirect_dma semaphore(%run_scoped3A : memref<!tpu.dma_semaphore, #tpu.memory_space<semaphore_mem>>) src(%dma_wait3A_75 : memref<128x64xf32, #tpu.memory_space<vmem>>) dst(%dma_wait3A_81 : memref<10112x64xf32, #tpu.memory_space<vmem_shared>>)
        tpu.yield
      }) : () -> ()
      %add3A_62 = arith.constant 1 : i32
      %add3A_63 = arith.addi %mul3A_25, %add3A_62 : i32
      "tpu.region"() ({
        %run_scoped3A = tpu.sem_alloc : memref<!tpu.dma_semaphore, #tpu.memory_space<semaphore_mem>>
        %dma_start3A_64 = arith.constant 128 : i32
        %dma_start3A_65 = arith.constant 0 : i32
        %dma_start3A_66 = tpu.memref_slice %arg8[%dma_start3A_64, %dma_start3A_65] : memref<256x64xf32, #tpu.memory_space<vmem>> -> memref<128x64xf32, #tpu.memory_space<vmem>>
        %dma_start3A_67 = arith.constant 0 : i32
        %dma_start3A_68 = tpu.memref_slice %arg7[%add3A_63, %dma_start3A_67] : memref<158x128xi32, #tpu.memory_space<vmem>> -> memref<1x128xi32, #tpu.memory_space<vmem>>
        %dma_start3A_69 = tpu.memref_squeeze %dma_start3A_68 : memref<1x128xi32, #tpu.memory_space<vmem>> -> memref<128xi32, #tpu.memory_space<vmem>>
        %dma_start3A_70 = arith.constant 0 : i32
        %dma_start3A_71 = arith.constant 0 : i32
        %dma_start3A_72 = tpu.memref_slice %arg9[%dma_start3A_70, %dma_start3A_71] : memref<10112x64xf32, #tpu.memory_space<vmem_shared>> -> memref<10112x64xf32, #tpu.memory_space<vmem_shared>>
        tpu.enqueue_indirect_dma source(%dma_start3A_66 : memref<128x64xf32, #tpu.memory_space<vmem>>) target(%dma_start3A_72 : memref<10112x64xf32, #tpu.memory_space<vmem_shared>>) offsets(%dma_start3A_69 : memref<128xi32, #tpu.memory_space<vmem>>) semaphore(%run_scoped3A : memref<!tpu.dma_semaphore, #tpu.memory_space<semaphore_mem>>) {add = true}
        %dma_wait3A_73 = arith.constant 128 : i32
        %dma_wait3A_74 = arith.constant 0 : i32
        %dma_wait3A_75 = tpu.memref_slice %arg8[%dma_wait3A_73, %dma_wait3A_74] : memref<256x64xf32, #tpu.memory_space<vmem>> -> memref<128x64xf32, #tpu.memory_space<vmem>>
        %dma_wait3A_76 = arith.constant 0 : i32
        %dma_wait3A_77 = tpu.memref_slice %arg7[%add3A_63, %dma_wait3A_76] : memref<158x128xi32, #tpu.memory_space<vmem>> -> memref<1x128xi32, #tpu.memory_space<vmem>>
        %dma_wait3A_78 = tpu.memref_squeeze %dma_wait3A_77 : memref<1x128xi32, #tpu.memory_space<vmem>> -> memref<128xi32, #tpu.memory_space<vmem>>
        %dma_wait3A_79 = arith.constant 0 : i32
        %dma_wait3A_80 = arith.constant 0 : i32
        %dma_wait3A_81 = tpu.memref_slice %arg9[%dma_wait3A_79, %dma_wait3A_80] : memref<10112x64xf32, #tpu.memory_space<vmem_shared>> -> memref<10112x64xf32, #tpu.memory_space<vmem_shared>>
        tpu.wait_indirect_dma semaphore(%run_scoped3A : memref<!tpu.dma_semaphore, #tpu.memory_space<semaphore_mem>>) src(%dma_wait3A_75 : memref<128x64xf32, #tpu.memory_space<vmem>>) dst(%dma_wait3A_81 : memref<10112x64xf32, #tpu.memory_space<vmem_shared>>)
        tpu.yield
      }) : () -> ()
    }
    %scan3A_21 = arith.constant 79 : i32
    %barrier3A_22 = arith.constant 0 : index
    tpu.barrier barrier_id(%barrier3A_22)
    "tpu.region"() ({
      %run_scoped3A = tpu.sem_alloc : memref<!tpu.dma_semaphore, #tpu.memory_space<semaphore_mem>>
      %dma_start3A = arith.constant 0 : i32
      %dma_start3A_23 = tpu.memref_slice %arg5[%arg0, %mul3A_2, %dma_start3A] : memref<2x10112x64xf32, #tpu.memory_space<hbm>> -> memref<1x632x64xf32, #tpu.memory_space<hbm>>
      %dma_start3A_24 = tpu.memref_squeeze %dma_start3A_23 : memref<1x632x64xf32, #tpu.memory_space<hbm>> -> memref<632x64xf32, #tpu.memory_space<hbm>>
      %dma_start3A_25 = arith.constant 0 : i32
      %dma_start3A_26 = tpu.memref_slice %arg9[%mul3A_2, %dma_start3A_25] : memref<10112x64xf32, #tpu.memory_space<vmem_shared>> -> memref<632x64xf32, #tpu.memory_space<vmem_shared>>
      tpu.enqueue_dma source(%dma_start3A_26 : memref<632x64xf32, #tpu.memory_space<vmem_shared>>) target(%dma_start3A_24 : memref<632x64xf32, #tpu.memory_space<hbm>>) target_semaphore(%run_scoped3A : memref<!tpu.dma_semaphore, #tpu.memory_space<semaphore_mem>>)
      %dma_wait3A = arith.constant 0 : i32
      %dma_wait3A_27 = tpu.memref_slice %arg5[%arg0, %mul3A_2, %dma_wait3A] : memref<2x10112x64xf32, #tpu.memory_space<hbm>> -> memref<1x632x64xf32, #tpu.memory_space<hbm>>
      %dma_wait3A_28 = tpu.memref_squeeze %dma_wait3A_27 : memref<1x632x64xf32, #tpu.memory_space<hbm>> -> memref<632x64xf32, #tpu.memory_space<hbm>>
      %dma_wait3A_29 = arith.constant 0 : i32
      %dma_wait3A_30 = tpu.memref_slice %arg9[%mul3A_2, %dma_wait3A_29] : memref<10112x64xf32, #tpu.memory_space<vmem_shared>> -> memref<632x64xf32, #tpu.memory_space<vmem_shared>>
      tpu.wait_dma2 semaphore(%run_scoped3A : memref<!tpu.dma_semaphore, #tpu.memory_space<semaphore_mem>>) src(%dma_wait3A_30 : memref<632x64xf32, #tpu.memory_space<vmem_shared>>) dst(%dma_wait3A_28 : memref<632x64xf32, #tpu.memory_space<hbm>>)
      tpu.yield
    }) : () -> ()
    return
  }
}

#map = affine_map<(d0, d1) -> (0, 0)>
#map1 = affine_map<(d0, d1) -> (0, 0, 0)>
module attributes {stable_mosaic.version = 14 : i64} {
  func.func @k(%arg0: i32, %arg1: i32, %arg2: memref<20000x64xf32, #tpu.memory_space<hbm>>, %arg3: memref<32x158x128xi32, #tpu.memory_space<hbm>>, %arg4: memref<16x158x128xi32, #tpu.memory_space<hbm>>, %arg5: memref<2x10112x64xf32, #tpu.memory_space<hbm>>, %arg6: memref<2x10112x16xf32, #tpu.memory_space<hbm>>, %arg7: memref<158x128xi32, #tpu.memory_space<vmem>>, %arg8: memref<158x128xi32, #tpu.memory_space<vmem>>, %arg9: memref<256x64xf32, #tpu.memory_space<vmem>>, %arg10: memref<10112x64xf32, #tpu.memory_space<vmem_shared>>, %arg11: memref<!tpu.dma_semaphore, #tpu.memory_space<semaphore_mem>>, %arg12: memref<!tpu.dma_semaphore, #tpu.memory_space<semaphore_mem>>, %arg13: memref<128x16xf32, #tpu.memory_space<vmem>>, %arg14: memref<128x16xf32, #tpu.memory_space<vmem>>, %arg15: memref<10112x16xf32, #tpu.memory_space<vmem_shared>>, %arg16: memref<!tpu.dma_semaphore, #tpu.memory_space<semaphore_mem>>) attributes {dimension_semantics = [#tpu.dimension_semantics<core_parallel>, #tpu.dimension_semantics<subcore_parallel>], iteration_bounds = array<i64: 2, 16>, scalar_prefetch = 0 : i64, scratch_operands = 10 : i64, tpu.core_type = #tpu.core_type<sc_vector_subcore>, window_params = [{transform_indices = #map}, {transform_indices = #map1}, {transform_indices = #map1}, {transform_indices = #map1}, {transform_indices = #map1}]} {
    %mul3A = arith.constant 16 : i32
    %mul3A_0 = arith.muli %arg0, %mul3A : i32
    %add3A = arith.addi %mul3A_0, %arg1 : i32
    %mul3A_1 = arith.constant 632 : i32
    %mul3A_2 = arith.muli %arg1, %mul3A_1 : i32
    %broadcast_in_dim3A = arith.constant 0.000000e+00 : f32
    %broadcast_in_dim3A_3 = vector.broadcast %broadcast_in_dim3A : f32 to vector<16xf32>
    %scan3A = arith.constant 0 : i32
    %scan3A_4 = arith.constant 0 : i32
    %scan3A_5 = arith.constant 256 : i32
    %scan3A_6 = arith.addi %scan3A_4, %scan3A_5 : i32
    %scan3A_7 = arith.constant 1 : i32
    scf.for %scan3A_51 = %scan3A_4 to %scan3A_6 step %scan3A_7  : i32 {
      %scan3A_52 = arith.constant 0 : i32
      %scan3A_53 = arith.constant 4 : i32
      %scan3A_54 = arith.addi %scan3A_52, %scan3A_53 : i32
      %scan3A_55 = arith.constant 1 : i32
      scf.for %scan3A_57 = %scan3A_52 to %scan3A_54 step %scan3A_55  : i32 {
        %mul3A_58 = arith.constant 16 : i32
        %mul3A_59 = arith.muli %scan3A_57, %mul3A_58 : i32
        %swap3A = arith.index_cast %scan3A_51 : i32 to index
        %swap3A_60 = arith.index_cast %mul3A_59 : i32 to index
        %swap3A_61 = tpu.vector_load %arg9[%swap3A, %swap3A_60] {strides = array<i32>} : memref<256x64xf32, #tpu.memory_space<vmem>>, vector<1x16xf32>,
        %swap3A_62 = vector.shape_cast %swap3A_61 : vector<1x16xf32> to vector<16xf32>
        %swap3A_63 = vector.shape_cast %broadcast_in_dim3A_3 : vector<16xf32> to vector<1x16xf32>
        tpu.vector_store %arg9[%swap3A, %swap3A_60], %swap3A_63 {strides = array<i32>} : memref<256x64xf32, #tpu.memory_space<vmem>>, vector<1x16xf32>,
      }
      %scan3A_56 = arith.constant 4 : i32
    }
    %scan3A_8 = arith.constant 256 : i32
    %add3A_9 = arith.constant 0 : i32
    %add3A_10 = arith.addi %mul3A_2, %add3A_9 : i32
    "tpu.region"() ({
      %run_scoped3A = tpu.sem_alloc : memref<!tpu.dma_semaphore, #tpu.memory_space<semaphore_mem>>
      %dma_start3A = arith.constant 0 : i32
      %dma_start3A_51 = tpu.memref_slice %arg10[%add3A_10, %dma_start3A] : memref<10112x64xf32, #tpu.memory_space<vmem_shared>> -> memref<256x64xf32, #tpu.memory_space<vmem_shared>>
      %dma_start3A_52 = arith.constant 0 : i32
      %dma_start3A_53 = tpu.memref_slice %arg10[%add3A_10, %dma_start3A_52] : memref<10112x64xf32, #tpu.memory_space<vmem_shared>> -> memref<256x64xf32, #tpu.memory_space<vmem_shared>>
      tpu.enqueue_dma source(%arg9 : memref<256x64xf32, #tpu.memory_space<vmem>>) target(%dma_start3A_53 : memref<256x64xf32, #tpu.memory_space<vmem_shared>>) target_semaphore(%run_scoped3A : memref<!tpu.dma_semaphore, #tpu.memory_space<semaphore_mem>>)
      %dma_wait3A = arith.constant 0 : i32
      %dma_wait3A_54 = tpu.memref_slice %arg10[%add3A_10, %dma_wait3A] : memref<10112x64xf32, #tpu.memory_space<vmem_shared>> -> memref<256x64xf32, #tpu.memory_space<vmem_shared>>
      %dma_wait3A_55 = arith.constant 0 : i32
      %dma_wait3A_56 = tpu.memref_slice %arg10[%add3A_10, %dma_wait3A_55] : memref<10112x64xf32, #tpu.memory_space<vmem_shared>> -> memref<256x64xf32, #tpu.memory_space<vmem_shared>>
      tpu.wait_dma2 semaphore(%run_scoped3A : memref<!tpu.dma_semaphore, #tpu.memory_space<semaphore_mem>>) src(%arg9 : memref<256x64xf32, #tpu.memory_space<vmem>>) dst(%dma_wait3A_56 : memref<256x64xf32, #tpu.memory_space<vmem_shared>>)
      tpu.yield
    }) : () -> ()
    %add3A_11 = arith.constant 256 : i32
    %add3A_12 = arith.addi %mul3A_2, %add3A_11 : i32
    "tpu.region"() ({
      %run_scoped3A = tpu.sem_alloc : memref<!tpu.dma_semaphore, #tpu.memory_space<semaphore_mem>>
      %dma_start3A = arith.constant 0 : i32
      %dma_start3A_51 = tpu.memref_slice %arg10[%add3A_12, %dma_start3A] : memref<10112x64xf32, #tpu.memory_space<vmem_shared>> -> memref<256x64xf32, #tpu.memory_space<vmem_shared>>
      %dma_start3A_52 = arith.constant 0 : i32
      %dma_start3A_53 = tpu.memref_slice %arg10[%add3A_12, %dma_start3A_52] : memref<10112x64xf32, #tpu.memory_space<vmem_shared>> -> memref<256x64xf32, #tpu.memory_space<vmem_shared>>
      tpu.enqueue_dma source(%arg9 : memref<256x64xf32, #tpu.memory_space<vmem>>) target(%dma_start3A_53 : memref<256x64xf32, #tpu.memory_space<vmem_shared>>) target_semaphore(%run_scoped3A : memref<!tpu.dma_semaphore, #tpu.memory_space<semaphore_mem>>)
      %dma_wait3A = arith.constant 0 : i32
      %dma_wait3A_54 = tpu.memref_slice %arg10[%add3A_12, %dma_wait3A] : memref<10112x64xf32, #tpu.memory_space<vmem_shared>> -> memref<256x64xf32, #tpu.memory_space<vmem_shared>>
      %dma_wait3A_55 = arith.constant 0 : i32
      %dma_wait3A_56 = tpu.memref_slice %arg10[%add3A_12, %dma_wait3A_55] : memref<10112x64xf32, #tpu.memory_space<vmem_shared>> -> memref<256x64xf32, #tpu.memory_space<vmem_shared>>
      tpu.wait_dma2 semaphore(%run_scoped3A : memref<!tpu.dma_semaphore, #tpu.memory_space<semaphore_mem>>) src(%arg9 : memref<256x64xf32, #tpu.memory_space<vmem>>) dst(%dma_wait3A_56 : memref<256x64xf32, #tpu.memory_space<vmem_shared>>)
      tpu.yield
    }) : () -> ()
    %add3A_13 = arith.constant 632 : i32
    %add3A_14 = arith.addi %mul3A_2, %add3A_13 : i32
    %sub3A = arith.constant 120 : i32
    %sub3A_15 = arith.subi %add3A_14, %sub3A : i32
    "tpu.region"() ({
      %run_scoped3A = tpu.sem_alloc : memref<!tpu.dma_semaphore, #tpu.memory_space<semaphore_mem>>
      %dma_start3A = arith.constant 0 : i32
      %dma_start3A_51 = arith.constant 0 : i32
      %dma_start3A_52 = tpu.memref_slice %arg9[%dma_start3A, %dma_start3A_51] : memref<256x64xf32, #tpu.memory_space<vmem>> -> memref<120x64xf32, #tpu.memory_space<vmem>>
      %dma_start3A_53 = arith.constant 0 : i32
      %dma_start3A_54 = tpu.memref_slice %arg10[%sub3A_15, %dma_start3A_53] : memref<10112x64xf32, #tpu.memory_space<vmem_shared>> -> memref<120x64xf32, #tpu.memory_space<vmem_shared>>
      %dma_start3A_55 = arith.constant 0 : i32
      %dma_start3A_56 = tpu.memref_slice %arg10[%sub3A_15, %dma_start3A_55] : memref<10112x64xf32, #tpu.memory_space<vmem_shared>> -> memref<120x64xf32, #tpu.memory_space<vmem_shared>>
      %dma_start3A_57 = arith.constant 0 : i32
      %dma_start3A_58 = arith.constant 0 : i32
      %dma_start3A_59 = tpu.memref_slice %arg9[%dma_start3A_57, %dma_start3A_58] : memref<256x64xf32, #tpu.memory_space<vmem>> -> memref<120x64xf32, #tpu.memory_space<vmem>>
      tpu.enqueue_dma source(%dma_start3A_59 : memref<120x64xf32, #tpu.memory_space<vmem>>) target(%dma_start3A_56 : memref<120x64xf32, #tpu.memory_space<vmem_shared>>) target_semaphore(%run_scoped3A : memref<!tpu.dma_semaphore, #tpu.memory_space<semaphore_mem>>)
      %dma_wait3A = arith.constant 0 : i32
      %dma_wait3A_60 = arith.constant 0 : i32
      %dma_wait3A_61 = tpu.memref_slice %arg9[%dma_wait3A, %dma_wait3A_60] : memref<256x64xf32, #tpu.memory_space<vmem>> -> memref<120x64xf32, #tpu.memory_space<vmem>>
      %dma_wait3A_62 = arith.constant 0 : i32
      %dma_wait3A_63 = tpu.memref_slice %arg10[%sub3A_15, %dma_wait3A_62] : memref<10112x64xf32, #tpu.memory_space<vmem_shared>> -> memref<120x64xf32, #tpu.memory_space<vmem_shared>>
      %dma_wait3A_64 = arith.constant 0 : i32
      %dma_wait3A_65 = tpu.memref_slice %arg10[%sub3A_15, %dma_wait3A_64] : memref<10112x64xf32, #tpu.memory_space<vmem_shared>> -> memref<120x64xf32, #tpu.memory_space<vmem_shared>>
      %dma_wait3A_66 = arith.constant 0 : i32
      %dma_wait3A_67 = arith.constant 0 : i32
      %dma_wait3A_68 = tpu.memref_slice %arg9[%dma_wait3A_66, %dma_wait3A_67] : memref<256x64xf32, #tpu.memory_space<vmem>> -> memref<120x64xf32, #tpu.memory_space<vmem>>
      tpu.wait_dma2 semaphore(%run_scoped3A : memref<!tpu.dma_semaphore, #tpu.memory_space<semaphore_mem>>) src(%dma_wait3A_68 : memref<120x64xf32, #tpu.memory_space<vmem>>) dst(%dma_wait3A_65 : memref<120x64xf32, #tpu.memory_space<vmem_shared>>)
      tpu.yield
    }) : () -> ()
    %broadcast_in_dim3A_16 = arith.constant 1.000000e+00 : f32
    %broadcast_in_dim3A_17 = vector.broadcast %broadcast_in_dim3A_16 : f32 to vector<16xf32>
    %scan3A_18 = arith.constant 0 : i32
    %scan3A_19 = arith.constant 0 : i32
    %scan3A_20 = arith.constant 128 : i32
    %scan3A_21 = arith.addi %scan3A_19, %scan3A_20 : i32
    %scan3A_22 = arith.constant 1 : i32
    scf.for %scan3A_51 = %scan3A_19 to %scan3A_21 step %scan3A_22  : i32 {
      %scan3A_52 = arith.constant 0 : i32
      %mul3A_53 = arith.constant 16 : i32
      %mul3A_54 = arith.muli %scan3A_52, %mul3A_53 : i32
      %swap3A = arith.index_cast %scan3A_51 : i32 to index
      %swap3A_55 = arith.index_cast %mul3A_54 : i32 to index
      %swap3A_56 = tpu.vector_load %arg13[%swap3A, %swap3A_55] {strides = array<i32>} : memref<128x16xf32, #tpu.memory_space<vmem>>, vector<1x16xf32>,
      %swap3A_57 = vector.shape_cast %swap3A_56 : vector<1x16xf32> to vector<16xf32>
      %swap3A_58 = vector.shape_cast %broadcast_in_dim3A_17 : vector<16xf32> to vector<1x16xf32>
      tpu.vector_store %arg13[%swap3A, %swap3A_55], %swap3A_58 {strides = array<i32>} : memref<128x16xf32, #tpu.memory_space<vmem>>, vector<1x16xf32>,
      %scan3A_59 = arith.constant 1 : i32
    }
    %scan3A_23 = arith.constant 128 : i32
    %broadcast_in_dim3A_24 = arith.constant 0.000000e+00 : f32
    %broadcast_in_dim3A_25 = vector.broadcast %broadcast_in_dim3A_24 : f32 to vector<16xf32>
    %scan3A_26 = arith.constant 0 : i32
    %scan3A_27 = arith.constant 0 : i32
    %scan3A_28 = arith.constant 128 : i32
    %scan3A_29 = arith.addi %scan3A_27, %scan3A_28 : i32
    %scan3A_30 = arith.constant 1 : i32
    scf.for %scan3A_51 = %scan3A_27 to %scan3A_29 step %scan3A_30  : i32 {
      %scan3A_52 = arith.constant 0 : i32
      %mul3A_53 = arith.constant 16 : i32
      %mul3A_54 = arith.muli %scan3A_52, %mul3A_53 : i32
      %swap3A = arith.index_cast %scan3A_51 : i32 to index
      %swap3A_55 = arith.index_cast %mul3A_54 : i32 to index
      %swap3A_56 = tpu.vector_load %arg14[%swap3A, %swap3A_55] {strides = array<i32>} : memref<128x16xf32, #tpu.memory_space<vmem>>, vector<1x16xf32>,
      %swap3A_57 = vector.shape_cast %swap3A_56 : vector<1x16xf32> to vector<16xf32>
      %swap3A_58 = vector.shape_cast %broadcast_in_dim3A_25 : vector<16xf32> to vector<1x16xf32>
      tpu.vector_store %arg14[%swap3A, %swap3A_55], %swap3A_58 {strides = array<i32>} : memref<128x16xf32, #tpu.memory_space<vmem>>, vector<1x16xf32>,
      %scan3A_59 = arith.constant 1 : i32
    }
    %scan3A_31 = arith.constant 128 : i32
    %add3A_32 = arith.constant 0 : i32
    %add3A_33 = arith.addi %mul3A_2, %add3A_32 : i32
    "tpu.region"() ({
      %run_scoped3A = tpu.sem_alloc : memref<!tpu.dma_semaphore, #tpu.memory_space<semaphore_mem>>
      %dma_start3A = arith.constant 0 : i32
      %dma_start3A_51 = tpu.memref_slice %arg15[%add3A_33, %dma_start3A] : memref<10112x16xf32, #tpu.memory_space<vmem_shared>> -> memref<128x16xf32, #tpu.memory_space<vmem_shared>>
      %dma_start3A_52 = arith.constant 0 : i32
      %dma_start3A_53 = tpu.memref_slice %arg15[%add3A_33, %dma_start3A_52] : memref<10112x16xf32, #tpu.memory_space<vmem_shared>> -> memref<128x16xf32, #tpu.memory_space<vmem_shared>>
      tpu.enqueue_dma source(%arg14 : memref<128x16xf32, #tpu.memory_space<vmem>>) target(%dma_start3A_53 : memref<128x16xf32, #tpu.memory_space<vmem_shared>>) target_semaphore(%run_scoped3A : memref<!tpu.dma_semaphore, #tpu.memory_space<semaphore_mem>>)
      %dma_wait3A = arith.constant 0 : i32
      %dma_wait3A_54 = tpu.memref_slice %arg15[%add3A_33, %dma_wait3A] : memref<10112x16xf32, #tpu.memory_space<vmem_shared>> -> memref<128x16xf32, #tpu.memory_space<vmem_shared>>
      %dma_wait3A_55 = arith.constant 0 : i32
      %dma_wait3A_56 = tpu.memref_slice %arg15[%add3A_33, %dma_wait3A_55] : memref<10112x16xf32, #tpu.memory_space<vmem_shared>> -> memref<128x16xf32, #tpu.memory_space<vmem_shared>>
      tpu.wait_dma2 semaphore(%run_scoped3A : memref<!tpu.dma_semaphore, #tpu.memory_space<semaphore_mem>>) src(%arg14 : memref<128x16xf32, #tpu.memory_space<vmem>>) dst(%dma_wait3A_56 : memref<128x16xf32, #tpu.memory_space<vmem_shared>>)
      tpu.yield
    }) : () -> ()
    %add3A_34 = arith.constant 128 : i32
    %add3A_35 = arith.addi %mul3A_2, %add3A_34 : i32
    "tpu.region"() ({
      %run_scoped3A = tpu.sem_alloc : memref<!tpu.dma_semaphore, #tpu.memory_space<semaphore_mem>>
      %dma_start3A = arith.constant 0 : i32
      %dma_start3A_51 = tpu.memref_slice %arg15[%add3A_35, %dma_start3A] : memref<10112x16xf32, #tpu.memory_space<vmem_shared>> -> memref<128x16xf32, #tpu.memory_space<vmem_shared>>
      %dma_start3A_52 = arith.constant 0 : i32
      %dma_start3A_53 = tpu.memref_slice %arg15[%add3A_35, %dma_start3A_52] : memref<10112x16xf32, #tpu.memory_space<vmem_shared>> -> memref<128x16xf32, #tpu.memory_space<vmem_shared>>
      tpu.enqueue_dma source(%arg14 : memref<128x16xf32, #tpu.memory_space<vmem>>) target(%dma_start3A_53 : memref<128x16xf32, #tpu.memory_space<vmem_shared>>) target_semaphore(%run_scoped3A : memref<!tpu.dma_semaphore, #tpu.memory_space<semaphore_mem>>)
      %dma_wait3A = arith.constant 0 : i32
      %dma_wait3A_54 = tpu.memref_slice %arg15[%add3A_35, %dma_wait3A] : memref<10112x16xf32, #tpu.memory_space<vmem_shared>> -> memref<128x16xf32, #tpu.memory_space<vmem_shared>>
      %dma_wait3A_55 = arith.constant 0 : i32
      %dma_wait3A_56 = tpu.memref_slice %arg15[%add3A_35, %dma_wait3A_55] : memref<10112x16xf32, #tpu.memory_space<vmem_shared>> -> memref<128x16xf32, #tpu.memory_space<vmem_shared>>
      tpu.wait_dma2 semaphore(%run_scoped3A : memref<!tpu.dma_semaphore, #tpu.memory_space<semaphore_mem>>) src(%arg14 : memref<128x16xf32, #tpu.memory_space<vmem>>) dst(%dma_wait3A_56 : memref<128x16xf32, #tpu.memory_space<vmem_shared>>)
      tpu.yield
    }) : () -> ()
    %add3A_36 = arith.constant 256 : i32
    %add3A_37 = arith.addi %mul3A_2, %add3A_36 : i32
    "tpu.region"() ({
      %run_scoped3A = tpu.sem_alloc : memref<!tpu.dma_semaphore, #tpu.memory_space<semaphore_mem>>
      %dma_start3A = arith.constant 0 : i32
      %dma_start3A_51 = tpu.memref_slice %arg15[%add3A_37, %dma_start3A] : memref<10112x16xf32, #tpu.memory_space<vmem_shared>> -> memref<128x16xf32, #tpu.memory_space<vmem_shared>>
      %dma_start3A_52 = arith.constant 0 : i32
      %dma_start3A_53 = tpu.memref_slice %arg15[%add3A_37, %dma_start3A_52] : memref<10112x16xf32, #tpu.memory_space<vmem_shared>> -> memref<128x16xf32, #tpu.memory_space<vmem_shared>>
      tpu.enqueue_dma source(%arg14 : memref<128x16xf32, #tpu.memory_space<vmem>>) target(%dma_start3A_53 : memref<128x16xf32, #tpu.memory_space<vmem_shared>>) target_semaphore(%run_scoped3A : memref<!tpu.dma_semaphore, #tpu.memory_space<semaphore_mem>>)
      %dma_wait3A = arith.constant 0 : i32
      %dma_wait3A_54 = tpu.memref_slice %arg15[%add3A_37, %dma_wait3A] : memref<10112x16xf32, #tpu.memory_space<vmem_shared>> -> memref<128x16xf32, #tpu.memory_space<vmem_shared>>
      %dma_wait3A_55 = arith.constant 0 : i32
      %dma_wait3A_56 = tpu.memref_slice %arg15[%add3A_37, %dma_wait3A_55] : memref<10112x16xf32, #tpu.memory_space<vmem_shared>> -> memref<128x16xf32, #tpu.memory_space<vmem_shared>>
      tpu.wait_dma2 semaphore(%run_scoped3A : memref<!tpu.dma_semaphore, #tpu.memory_space<semaphore_mem>>) src(%arg14 : memref<128x16xf32, #tpu.memory_space<vmem>>) dst(%dma_wait3A_56 : memref<128x16xf32, #tpu.memory_space<vmem_shared>>)
      tpu.yield
    }) : () -> ()
    %add3A_38 = arith.constant 384 : i32
    %add3A_39 = arith.addi %mul3A_2, %add3A_38 : i32
    "tpu.region"() ({
      %run_scoped3A = tpu.sem_alloc : memref<!tpu.dma_semaphore, #tpu.memory_space<semaphore_mem>>
      %dma_start3A = arith.constant 0 : i32
      %dma_start3A_51 = tpu.memref_slice %arg15[%add3A_39, %dma_start3A] : memref<10112x16xf32, #tpu.memory_space<vmem_shared>> -> memref<128x16xf32, #tpu.memory_space<vmem_shared>>
      %dma_start3A_52 = arith.constant 0 : i32
      %dma_start3A_53 = tpu.memref_slice %arg15[%add3A_39, %dma_start3A_52] : memref<10112x16xf32, #tpu.memory_space<vmem_shared>> -> memref<128x16xf32, #tpu.memory_space<vmem_shared>>
      tpu.enqueue_dma source(%arg14 : memref<128x16xf32, #tpu.memory_space<vmem>>) target(%dma_start3A_53 : memref<128x16xf32, #tpu.memory_space<vmem_shared>>) target_semaphore(%run_scoped3A : memref<!tpu.dma_semaphore, #tpu.memory_space<semaphore_mem>>)
      %dma_wait3A = arith.constant 0 : i32
      %dma_wait3A_54 = tpu.memref_slice %arg15[%add3A_39, %dma_wait3A] : memref<10112x16xf32, #tpu.memory_space<vmem_shared>> -> memref<128x16xf32, #tpu.memory_space<vmem_shared>>
      %dma_wait3A_55 = arith.constant 0 : i32
      %dma_wait3A_56 = tpu.memref_slice %arg15[%add3A_39, %dma_wait3A_55] : memref<10112x16xf32, #tpu.memory_space<vmem_shared>> -> memref<128x16xf32, #tpu.memory_space<vmem_shared>>
      tpu.wait_dma2 semaphore(%run_scoped3A : memref<!tpu.dma_semaphore, #tpu.memory_space<semaphore_mem>>) src(%arg14 : memref<128x16xf32, #tpu.memory_space<vmem>>) dst(%dma_wait3A_56 : memref<128x16xf32, #tpu.memory_space<vmem_shared>>)
      tpu.yield
    }) : () -> ()
    %add3A_40 = arith.constant 632 : i32
    %add3A_41 = arith.addi %mul3A_2, %add3A_40 : i32
    %sub3A_42 = arith.constant 120 : i32
    %sub3A_43 = arith.subi %add3A_41, %sub3A_42 : i32
    "tpu.region"() ({
      %run_scoped3A = tpu.sem_alloc : memref<!tpu.dma_semaphore, #tpu.memory_space<semaphore_mem>>
      %dma_start3A = arith.constant 0 : i32
      %dma_start3A_51 = arith.constant 0 : i32
      %dma_start3A_52 = tpu.memref_slice %arg14[%dma_start3A, %dma_start3A_51] : memref<128x16xf32, #tpu.memory_space<vmem>> -> memref<120x16xf32, #tpu.memory_space<vmem>>
      %dma_start3A_53 = arith.constant 0 : i32
      %dma_start3A_54 = tpu.memref_slice %arg15[%sub3A_43, %dma_start3A_53] : memref<10112x16xf32, #tpu.memory_space<vmem_shared>> -> memref<120x16xf32, #tpu.memory_space<vmem_shared>>
      %dma_start3A_55 = arith.constant 0 : i32
      %dma_start3A_56 = tpu.memref_slice %arg15[%sub3A_43, %dma_start3A_55] : memref<10112x16xf32, #tpu.memory_space<vmem_shared>> -> memref<120x16xf32, #tpu.memory_space<vmem_shared>>
      %dma_start3A_57 = arith.constant 0 : i32
      %dma_start3A_58 = arith.constant 0 : i32
      %dma_start3A_59 = tpu.memref_slice %arg14[%dma_start3A_57, %dma_start3A_58] : memref<128x16xf32, #tpu.memory_space<vmem>> -> memref<120x16xf32, #tpu.memory_space<vmem>>
      tpu.enqueue_dma source(%dma_start3A_59 : memref<120x16xf32, #tpu.memory_space<vmem>>) target(%dma_start3A_56 : memref<120x16xf32, #tpu.memory_space<vmem_shared>>) target_semaphore(%run_scoped3A : memref<!tpu.dma_semaphore, #tpu.memory_space<semaphore_mem>>)
      %dma_wait3A = arith.constant 0 : i32
      %dma_wait3A_60 = arith.constant 0 : i32
      %dma_wait3A_61 = tpu.memref_slice %arg14[%dma_wait3A, %dma_wait3A_60] : memref<128x16xf32, #tpu.memory_space<vmem>> -> memref<120x16xf32, #tpu.memory_space<vmem>>
      %dma_wait3A_62 = arith.constant 0 : i32
      %dma_wait3A_63 = tpu.memref_slice %arg15[%sub3A_43, %dma_wait3A_62] : memref<10112x16xf32, #tpu.memory_space<vmem_shared>> -> memref<120x16xf32, #tpu.memory_space<vmem_shared>>
      %dma_wait3A_64 = arith.constant 0 : i32
      %dma_wait3A_65 = tpu.memref_slice %arg15[%sub3A_43, %dma_wait3A_64] : memref<10112x16xf32, #tpu.memory_space<vmem_shared>> -> memref<120x16xf32, #tpu.memory_space<vmem_shared>>
      %dma_wait3A_66 = arith.constant 0 : i32
      %dma_wait3A_67 = arith.constant 0 : i32
      %dma_wait3A_68 = tpu.memref_slice %arg14[%dma_wait3A_66, %dma_wait3A_67] : memref<128x16xf32, #tpu.memory_space<vmem>> -> memref<120x16xf32, #tpu.memory_space<vmem>>
      tpu.wait_dma2 semaphore(%run_scoped3A : memref<!tpu.dma_semaphore, #tpu.memory_space<semaphore_mem>>) src(%dma_wait3A_68 : memref<120x16xf32, #tpu.memory_space<vmem>>) dst(%dma_wait3A_65 : memref<120x16xf32, #tpu.memory_space<vmem_shared>>)
      tpu.yield
    }) : () -> ()
    "tpu.region"() ({
      %run_scoped3A = tpu.sem_alloc : memref<!tpu.dma_semaphore, #tpu.memory_space<semaphore_mem>>
      %dma_start3A = arith.constant 0 : i32
      %dma_start3A_51 = arith.constant 0 : i32
      %dma_start3A_52 = tpu.memref_slice %arg3[%add3A, %dma_start3A, %dma_start3A_51] : memref<32x158x128xi32, #tpu.memory_space<hbm>> -> memref<1x158x128xi32, #tpu.memory_space<hbm>>
      %dma_start3A_53 = tpu.memref_squeeze %dma_start3A_52 : memref<1x158x128xi32, #tpu.memory_space<hbm>> -> memref<158x128xi32, #tpu.memory_space<hbm>>
      %dma_start3A_54 = arith.constant 0 : i32
      %dma_start3A_55 = arith.constant 0 : i32
      %dma_start3A_56 = tpu.memref_slice %arg3[%add3A, %dma_start3A_54, %dma_start3A_55] : memref<32x158x128xi32, #tpu.memory_space<hbm>> -> memref<1x158x128xi32, #tpu.memory_space<hbm>>
      %dma_start3A_57 = tpu.memref_squeeze %dma_start3A_56 : memref<1x158x128xi32, #tpu.memory_space<hbm>> -> memref<158x128xi32, #tpu.memory_space<hbm>>
      tpu.enqueue_dma source(%dma_start3A_57 : memref<158x128xi32, #tpu.memory_space<hbm>>) target(%arg7 : memref<158x128xi32, #tpu.memory_space<vmem>>) target_semaphore(%run_scoped3A : memref<!tpu.dma_semaphore, #tpu.memory_space<semaphore_mem>>)
      %dma_wait3A = arith.constant 0 : i32
      %dma_wait3A_58 = arith.constant 0 : i32
      %dma_wait3A_59 = tpu.memref_slice %arg3[%add3A, %dma_wait3A, %dma_wait3A_58] : memref<32x158x128xi32, #tpu.memory_space<hbm>> -> memref<1x158x128xi32, #tpu.memory_space<hbm>>
      %dma_wait3A_60 = tpu.memref_squeeze %dma_wait3A_59 : memref<1x158x128xi32, #tpu.memory_space<hbm>> -> memref<158x128xi32, #tpu.memory_space<hbm>>
      %dma_wait3A_61 = arith.constant 0 : i32
      %dma_wait3A_62 = arith.constant 0 : i32
      %dma_wait3A_63 = tpu.memref_slice %arg3[%add3A, %dma_wait3A_61, %dma_wait3A_62] : memref<32x158x128xi32, #tpu.memory_space<hbm>> -> memref<1x158x128xi32, #tpu.memory_space<hbm>>
      %dma_wait3A_64 = tpu.memref_squeeze %dma_wait3A_63 : memref<1x158x128xi32, #tpu.memory_space<hbm>> -> memref<158x128xi32, #tpu.memory_space<hbm>>
      tpu.wait_dma2 semaphore(%run_scoped3A : memref<!tpu.dma_semaphore, #tpu.memory_space<semaphore_mem>>) src(%dma_wait3A_64 : memref<158x128xi32, #tpu.memory_space<hbm>>) dst(%arg7 : memref<158x128xi32, #tpu.memory_space<vmem>>)
      tpu.yield
    }) : () -> ()
    "tpu.region"() ({
      %run_scoped3A = tpu.sem_alloc : memref<!tpu.dma_semaphore, #tpu.memory_space<semaphore_mem>>
      %dma_start3A = arith.constant 0 : i32
      %dma_start3A_51 = arith.constant 0 : i32
      %dma_start3A_52 = tpu.memref_slice %arg4[%arg1, %dma_start3A, %dma_start3A_51] : memref<16x158x128xi32, #tpu.memory_space<hbm>> -> memref<1x158x128xi32, #tpu.memory_space<hbm>>
      %dma_start3A_53 = tpu.memref_squeeze %dma_start3A_52 : memref<1x158x128xi32, #tpu.memory_space<hbm>> -> memref<158x128xi32, #tpu.memory_space<hbm>>
      %dma_start3A_54 = arith.constant 0 : i32
      %dma_start3A_55 = arith.constant 0 : i32
      %dma_start3A_56 = tpu.memref_slice %arg4[%arg1, %dma_start3A_54, %dma_start3A_55] : memref<16x158x128xi32, #tpu.memory_space<hbm>> -> memref<1x158x128xi32, #tpu.memory_space<hbm>>
      %dma_start3A_57 = tpu.memref_squeeze %dma_start3A_56 : memref<1x158x128xi32, #tpu.memory_space<hbm>> -> memref<158x128xi32, #tpu.memory_space<hbm>>
      tpu.enqueue_dma source(%dma_start3A_57 : memref<158x128xi32, #tpu.memory_space<hbm>>) target(%arg8 : memref<158x128xi32, #tpu.memory_space<vmem>>) target_semaphore(%run_scoped3A : memref<!tpu.dma_semaphore, #tpu.memory_space<semaphore_mem>>)
      %dma_wait3A = arith.constant 0 : i32
      %dma_wait3A_58 = arith.constant 0 : i32
      %dma_wait3A_59 = tpu.memref_slice %arg4[%arg1, %dma_wait3A, %dma_wait3A_58] : memref<16x158x128xi32, #tpu.memory_space<hbm>> -> memref<1x158x128xi32, #tpu.memory_space<hbm>>
      %dma_wait3A_60 = tpu.memref_squeeze %dma_wait3A_59 : memref<1x158x128xi32, #tpu.memory_space<hbm>> -> memref<158x128xi32, #tpu.memory_space<hbm>>
      %dma_wait3A_61 = arith.constant 0 : i32
      %dma_wait3A_62 = arith.constant 0 : i32
      %dma_wait3A_63 = tpu.memref_slice %arg4[%arg1, %dma_wait3A_61, %dma_wait3A_62] : memref<16x158x128xi32, #tpu.memory_space<hbm>> -> memref<1x158x128xi32, #tpu.memory_space<hbm>>
      %dma_wait3A_64 = tpu.memref_squeeze %dma_wait3A_63 : memref<1x158x128xi32, #tpu.memory_space<hbm>> -> memref<158x128xi32, #tpu.memory_space<hbm>>
      tpu.wait_dma2 semaphore(%run_scoped3A : memref<!tpu.dma_semaphore, #tpu.memory_space<semaphore_mem>>) src(%dma_wait3A_64 : memref<158x128xi32, #tpu.memory_space<hbm>>) dst(%arg8 : memref<158x128xi32, #tpu.memory_space<vmem>>)
      tpu.yield
    }) : () -> ()
    %barrier3A = arith.constant 0 : index
    tpu.barrier barrier_id(%barrier3A)
    %scan3A_44 = arith.constant 0 : i32
    %scan3A_45 = arith.constant 0 : i32
    %scan3A_46 = arith.constant 79 : i32
    %scan3A_47 = arith.addi %scan3A_45, %scan3A_46 : i32
    %scan3A_48 = arith.constant 1 : i32
    scf.for %scan3A_51 = %scan3A_45 to %scan3A_47 step %scan3A_48  : i32 {
      %mul3A_52 = arith.constant 2 : i32
      %mul3A_53 = arith.muli %mul3A_52, %scan3A_51 : i32
      %dma_start3A = arith.constant 0 : i32
      %dma_start3A_54 = arith.constant 0 : i32
      %dma_start3A_55 = tpu.memref_slice %arg9[%dma_start3A, %dma_start3A_54] : memref<256x64xf32, #tpu.memory_space<vmem>> -> memref<128x64xf32, #tpu.memory_space<vmem>>
      %dma_start3A_56 = arith.constant 0 : i32
      %dma_start3A_57 = tpu.memref_slice %arg7[%mul3A_53, %dma_start3A_56] : memref<158x128xi32, #tpu.memory_space<vmem>> -> memref<1x128xi32, #tpu.memory_space<vmem>>
      %dma_start3A_58 = tpu.memref_squeeze %dma_start3A_57 : memref<1x128xi32, #tpu.memory_space<vmem>> -> memref<128xi32, #tpu.memory_space<vmem>>
      %dma_start3A_59 = arith.constant 0 : i32
      %dma_start3A_60 = arith.constant 0 : i32
      %dma_start3A_61 = tpu.memref_slice %arg2[%dma_start3A_59, %dma_start3A_60] : memref<20000x64xf32, #tpu.memory_space<hbm>> -> memref<20000x64xf32, #tpu.memory_space<hbm>>
      tpu.enqueue_indirect_dma source(%dma_start3A_61 : memref<20000x64xf32, #tpu.memory_space<hbm>>) target(%dma_start3A_55 : memref<128x64xf32, #tpu.memory_space<vmem>>) offsets(%dma_start3A_58 : memref<128xi32, #tpu.memory_space<vmem>>) semaphore(%arg11 : memref<!tpu.dma_semaphore, #tpu.memory_space<semaphore_mem>>)
      %add3A_62 = arith.constant 1 : i32
      %add3A_63 = arith.addi %mul3A_53, %add3A_62 : i32
      %dma_start3A_64 = arith.constant 128 : i32
      %dma_start3A_65 = arith.constant 0 : i32
      %dma_start3A_66 = tpu.memref_slice %arg9[%dma_start3A_64, %dma_start3A_65] : memref<256x64xf32, #tpu.memory_space<vmem>> -> memref<128x64xf32, #tpu.memory_space<vmem>>
      %dma_start3A_67 = arith.constant 0 : i32
      %dma_start3A_68 = tpu.memref_slice %arg7[%add3A_63, %dma_start3A_67] : memref<158x128xi32, #tpu.memory_space<vmem>> -> memref<1x128xi32, #tpu.memory_space<vmem>>
      %dma_start3A_69 = tpu.memref_squeeze %dma_start3A_68 : memref<1x128xi32, #tpu.memory_space<vmem>> -> memref<128xi32, #tpu.memory_space<vmem>>
      %dma_start3A_70 = arith.constant 0 : i32
      %dma_start3A_71 = arith.constant 0 : i32
      %dma_start3A_72 = tpu.memref_slice %arg2[%dma_start3A_70, %dma_start3A_71] : memref<20000x64xf32, #tpu.memory_space<hbm>> -> memref<20000x64xf32, #tpu.memory_space<hbm>>
      tpu.enqueue_indirect_dma source(%dma_start3A_72 : memref<20000x64xf32, #tpu.memory_space<hbm>>) target(%dma_start3A_66 : memref<128x64xf32, #tpu.memory_space<vmem>>) offsets(%dma_start3A_69 : memref<128xi32, #tpu.memory_space<vmem>>) semaphore(%arg12 : memref<!tpu.dma_semaphore, #tpu.memory_space<semaphore_mem>>)
      %dma_wait3A = arith.constant 0 : i32
      %dma_wait3A_73 = arith.constant 0 : i32
      %dma_wait3A_74 = tpu.memref_slice %arg9[%dma_wait3A, %dma_wait3A_73] : memref<256x64xf32, #tpu.memory_space<vmem>> -> memref<128x64xf32, #tpu.memory_space<vmem>>
      %dma_wait3A_75 = arith.constant 0 : i32
      %dma_wait3A_76 = tpu.memref_slice %arg7[%mul3A_53, %dma_wait3A_75] : memref<158x128xi32, #tpu.memory_space<vmem>> -> memref<1x128xi32, #tpu.memory_space<vmem>>
      %dma_wait3A_77 = tpu.memref_squeeze %dma_wait3A_76 : memref<1x128xi32, #tpu.memory_space<vmem>> -> memref<128xi32, #tpu.memory_space<vmem>>
      %dma_wait3A_78 = arith.constant 0 : i32
      %dma_wait3A_79 = arith.constant 0 : i32
      %dma_wait3A_80 = tpu.memref_slice %arg2[%dma_wait3A_78, %dma_wait3A_79] : memref<20000x64xf32, #tpu.memory_space<hbm>> -> memref<20000x64xf32, #tpu.memory_space<hbm>>
      tpu.wait_indirect_dma semaphore(%arg11 : memref<!tpu.dma_semaphore, #tpu.memory_space<semaphore_mem>>) src(%dma_wait3A_80 : memref<20000x64xf32, #tpu.memory_space<hbm>>) dst(%dma_wait3A_74 : memref<128x64xf32, #tpu.memory_space<vmem>>)
      %dma_wait3A_81 = arith.constant 128 : i32
      %dma_wait3A_82 = arith.constant 0 : i32
      %dma_wait3A_83 = tpu.memref_slice %arg9[%dma_wait3A_81, %dma_wait3A_82] : memref<256x64xf32, #tpu.memory_space<vmem>> -> memref<128x64xf32, #tpu.memory_space<vmem>>
      %dma_wait3A_84 = arith.constant 0 : i32
      %dma_wait3A_85 = tpu.memref_slice %arg7[%add3A_63, %dma_wait3A_84] : memref<158x128xi32, #tpu.memory_space<vmem>> -> memref<1x128xi32, #tpu.memory_space<vmem>>
      %dma_wait3A_86 = tpu.memref_squeeze %dma_wait3A_85 : memref<1x128xi32, #tpu.memory_space<vmem>> -> memref<128xi32, #tpu.memory_space<vmem>>
      %dma_wait3A_87 = arith.constant 0 : i32
      %dma_wait3A_88 = arith.constant 0 : i32
      %dma_wait3A_89 = tpu.memref_slice %arg2[%dma_wait3A_87, %dma_wait3A_88] : memref<20000x64xf32, #tpu.memory_space<hbm>> -> memref<20000x64xf32, #tpu.memory_space<hbm>>
      tpu.wait_indirect_dma semaphore(%arg12 : memref<!tpu.dma_semaphore, #tpu.memory_space<semaphore_mem>>) src(%dma_wait3A_89 : memref<20000x64xf32, #tpu.memory_space<hbm>>) dst(%dma_wait3A_83 : memref<128x64xf32, #tpu.memory_space<vmem>>)
      "tpu.region"() ({
        %run_scoped3A = tpu.sem_alloc : memref<!tpu.dma_semaphore, #tpu.memory_space<semaphore_mem>>
        %dma_start3A_93 = arith.constant 0 : i32
        %dma_start3A_94 = arith.constant 0 : i32
        %dma_start3A_95 = tpu.memref_slice %arg9[%dma_start3A_93, %dma_start3A_94] : memref<256x64xf32, #tpu.memory_space<vmem>> -> memref<128x64xf32, #tpu.memory_space<vmem>>
        %dma_start3A_96 = arith.constant 0 : i32
        %dma_start3A_97 = tpu.memref_slice %arg8[%mul3A_53, %dma_start3A_96] : memref<158x128xi32, #tpu.memory_space<vmem>> -> memref<1x128xi32, #tpu.memory_space<vmem>>
        %dma_start3A_98 = tpu.memref_squeeze %dma_start3A_97 : memref<1x128xi32, #tpu.memory_space<vmem>> -> memref<128xi32, #tpu.memory_space<vmem>>
        %dma_start3A_99 = arith.constant 0 : i32
        %dma_start3A_100 = arith.constant 0 : i32
        %dma_start3A_101 = tpu.memref_slice %arg10[%dma_start3A_99, %dma_start3A_100] : memref<10112x64xf32, #tpu.memory_space<vmem_shared>> -> memref<10112x64xf32, #tpu.memory_space<vmem_shared>>
        tpu.enqueue_indirect_dma source(%dma_start3A_95 : memref<128x64xf32, #tpu.memory_space<vmem>>) target(%dma_start3A_101 : memref<10112x64xf32, #tpu.memory_space<vmem_shared>>) offsets(%dma_start3A_98 : memref<128xi32, #tpu.memory_space<vmem>>) semaphore(%run_scoped3A : memref<!tpu.dma_semaphore, #tpu.memory_space<semaphore_mem>>) {add = true}
        %dma_wait3A_102 = arith.constant 0 : i32
        %dma_wait3A_103 = arith.constant 0 : i32
        %dma_wait3A_104 = tpu.memref_slice %arg9[%dma_wait3A_102, %dma_wait3A_103] : memref<256x64xf32, #tpu.memory_space<vmem>> -> memref<128x64xf32, #tpu.memory_space<vmem>>
        %dma_wait3A_105 = arith.constant 0 : i32
        %dma_wait3A_106 = tpu.memref_slice %arg8[%mul3A_53, %dma_wait3A_105] : memref<158x128xi32, #tpu.memory_space<vmem>> -> memref<1x128xi32, #tpu.memory_space<vmem>>
        %dma_wait3A_107 = tpu.memref_squeeze %dma_wait3A_106 : memref<1x128xi32, #tpu.memory_space<vmem>> -> memref<128xi32, #tpu.memory_space<vmem>>
        %dma_wait3A_108 = arith.constant 0 : i32
        %dma_wait3A_109 = arith.constant 0 : i32
        %dma_wait3A_110 = tpu.memref_slice %arg10[%dma_wait3A_108, %dma_wait3A_109] : memref<10112x64xf32, #tpu.memory_space<vmem_shared>> -> memref<10112x64xf32, #tpu.memory_space<vmem_shared>>
        tpu.wait_indirect_dma semaphore(%run_scoped3A : memref<!tpu.dma_semaphore, #tpu.memory_space<semaphore_mem>>) src(%dma_wait3A_104 : memref<128x64xf32, #tpu.memory_space<vmem>>) dst(%dma_wait3A_110 : memref<10112x64xf32, #tpu.memory_space<vmem_shared>>)
        tpu.yield
      }) : () -> ()
      %add3A_90 = arith.constant 1 : i32
      %add3A_91 = arith.addi %mul3A_53, %add3A_90 : i32
      "tpu.region"() ({
        %run_scoped3A = tpu.sem_alloc : memref<!tpu.dma_semaphore, #tpu.memory_space<semaphore_mem>>
        %dma_start3A_93 = arith.constant 128 : i32
        %dma_start3A_94 = arith.constant 0 : i32
        %dma_start3A_95 = tpu.memref_slice %arg9[%dma_start3A_93, %dma_start3A_94] : memref<256x64xf32, #tpu.memory_space<vmem>> -> memref<128x64xf32, #tpu.memory_space<vmem>>
        %dma_start3A_96 = arith.constant 0 : i32
        %dma_start3A_97 = tpu.memref_slice %arg8[%add3A_91, %dma_start3A_96] : memref<158x128xi32, #tpu.memory_space<vmem>> -> memref<1x128xi32, #tpu.memory_space<vmem>>
        %dma_start3A_98 = tpu.memref_squeeze %dma_start3A_97 : memref<1x128xi32, #tpu.memory_space<vmem>> -> memref<128xi32, #tpu.memory_space<vmem>>
        %dma_start3A_99 = arith.constant 0 : i32
        %dma_start3A_100 = arith.constant 0 : i32
        %dma_start3A_101 = tpu.memref_slice %arg10[%dma_start3A_99, %dma_start3A_100] : memref<10112x64xf32, #tpu.memory_space<vmem_shared>> -> memref<10112x64xf32, #tpu.memory_space<vmem_shared>>
        tpu.enqueue_indirect_dma source(%dma_start3A_95 : memref<128x64xf32, #tpu.memory_space<vmem>>) target(%dma_start3A_101 : memref<10112x64xf32, #tpu.memory_space<vmem_shared>>) offsets(%dma_start3A_98 : memref<128xi32, #tpu.memory_space<vmem>>) semaphore(%run_scoped3A : memref<!tpu.dma_semaphore, #tpu.memory_space<semaphore_mem>>) {add = true}
        %dma_wait3A_102 = arith.constant 128 : i32
        %dma_wait3A_103 = arith.constant 0 : i32
        %dma_wait3A_104 = tpu.memref_slice %arg9[%dma_wait3A_102, %dma_wait3A_103] : memref<256x64xf32, #tpu.memory_space<vmem>> -> memref<128x64xf32, #tpu.memory_space<vmem>>
        %dma_wait3A_105 = arith.constant 0 : i32
        %dma_wait3A_106 = tpu.memref_slice %arg8[%add3A_91, %dma_wait3A_105] : memref<158x128xi32, #tpu.memory_space<vmem>> -> memref<1x128xi32, #tpu.memory_space<vmem>>
        %dma_wait3A_107 = tpu.memref_squeeze %dma_wait3A_106 : memref<1x128xi32, #tpu.memory_space<vmem>> -> memref<128xi32, #tpu.memory_space<vmem>>
        %dma_wait3A_108 = arith.constant 0 : i32
        %dma_wait3A_109 = arith.constant 0 : i32
        %dma_wait3A_110 = tpu.memref_slice %arg10[%dma_wait3A_108, %dma_wait3A_109] : memref<10112x64xf32, #tpu.memory_space<vmem_shared>> -> memref<10112x64xf32, #tpu.memory_space<vmem_shared>>
        tpu.wait_indirect_dma semaphore(%run_scoped3A : memref<!tpu.dma_semaphore, #tpu.memory_space<semaphore_mem>>) src(%dma_wait3A_104 : memref<128x64xf32, #tpu.memory_space<vmem>>) dst(%dma_wait3A_110 : memref<10112x64xf32, #tpu.memory_space<vmem_shared>>)
        tpu.yield
      }) : () -> ()
      %add3A_92 = arith.addi %mul3A_53, %arg0 : i32
      "tpu.region"() ({
        %run_scoped3A = tpu.sem_alloc : memref<!tpu.dma_semaphore, #tpu.memory_space<semaphore_mem>>
        %dma_start3A_93 = arith.constant 0 : i32
        %dma_start3A_94 = tpu.memref_slice %arg8[%add3A_92, %dma_start3A_93] : memref<158x128xi32, #tpu.memory_space<vmem>> -> memref<1x128xi32, #tpu.memory_space<vmem>>
        %dma_start3A_95 = tpu.memref_squeeze %dma_start3A_94 : memref<1x128xi32, #tpu.memory_space<vmem>> -> memref<128xi32, #tpu.memory_space<vmem>>
        %dma_start3A_96 = arith.constant 0 : i32
        %dma_start3A_97 = arith.constant 0 : i32
        %dma_start3A_98 = tpu.memref_slice %arg15[%dma_start3A_96, %dma_start3A_97] : memref<10112x16xf32, #tpu.memory_space<vmem_shared>> -> memref<10112x16xf32, #tpu.memory_space<vmem_shared>>
        tpu.enqueue_indirect_dma source(%arg13 : memref<128x16xf32, #tpu.memory_space<vmem>>) target(%dma_start3A_98 : memref<10112x16xf32, #tpu.memory_space<vmem_shared>>) offsets(%dma_start3A_95 : memref<128xi32, #tpu.memory_space<vmem>>) semaphore(%run_scoped3A : memref<!tpu.dma_semaphore, #tpu.memory_space<semaphore_mem>>) {add = true}
        %dma_wait3A_99 = arith.constant 0 : i32
        %dma_wait3A_100 = tpu.memref_slice %arg8[%add3A_92, %dma_wait3A_99] : memref<158x128xi32, #tpu.memory_space<vmem>> -> memref<1x128xi32, #tpu.memory_space<vmem>>
        %dma_wait3A_101 = tpu.memref_squeeze %dma_wait3A_100 : memref<1x128xi32, #tpu.memory_space<vmem>> -> memref<128xi32, #tpu.memory_space<vmem>>
        %dma_wait3A_102 = arith.constant 0 : i32
        %dma_wait3A_103 = arith.constant 0 : i32
        %dma_wait3A_104 = tpu.memref_slice %arg15[%dma_wait3A_102, %dma_wait3A_103] : memref<10112x16xf32, #tpu.memory_space<vmem_shared>> -> memref<10112x16xf32, #tpu.memory_space<vmem_shared>>
        tpu.wait_indirect_dma semaphore(%run_scoped3A : memref<!tpu.dma_semaphore, #tpu.memory_space<semaphore_mem>>) src(%arg13 : memref<128x16xf32, #tpu.memory_space<vmem>>) dst(%dma_wait3A_104 : memref<10112x16xf32, #tpu.memory_space<vmem_shared>>)
        tpu.yield
      }) : () -> ()
    }
    %scan3A_49 = arith.constant 79 : i32
    %barrier3A_50 = arith.constant 0 : index
    tpu.barrier barrier_id(%barrier3A_50)
    "tpu.region"() ({
      %run_scoped3A = tpu.sem_alloc : memref<!tpu.dma_semaphore, #tpu.memory_space<semaphore_mem>>
      %dma_start3A = arith.constant 0 : i32
      %dma_start3A_51 = tpu.memref_slice %arg5[%arg0, %mul3A_2, %dma_start3A] : memref<2x10112x64xf32, #tpu.memory_space<hbm>> -> memref<1x632x64xf32, #tpu.memory_space<hbm>>
      %dma_start3A_52 = tpu.memref_squeeze %dma_start3A_51 : memref<1x632x64xf32, #tpu.memory_space<hbm>> -> memref<632x64xf32, #tpu.memory_space<hbm>>
      %dma_start3A_53 = arith.constant 0 : i32
      %dma_start3A_54 = tpu.memref_slice %arg10[%mul3A_2, %dma_start3A_53] : memref<10112x64xf32, #tpu.memory_space<vmem_shared>> -> memref<632x64xf32, #tpu.memory_space<vmem_shared>>
      tpu.enqueue_dma source(%dma_start3A_54 : memref<632x64xf32, #tpu.memory_space<vmem_shared>>) target(%dma_start3A_52 : memref<632x64xf32, #tpu.memory_space<hbm>>) target_semaphore(%run_scoped3A : memref<!tpu.dma_semaphore, #tpu.memory_space<semaphore_mem>>)
      %dma_wait3A = arith.constant 0 : i32
      %dma_wait3A_55 = tpu.memref_slice %arg5[%arg0, %mul3A_2, %dma_wait3A] : memref<2x10112x64xf32, #tpu.memory_space<hbm>> -> memref<1x632x64xf32, #tpu.memory_space<hbm>>
      %dma_wait3A_56 = tpu.memref_squeeze %dma_wait3A_55 : memref<1x632x64xf32, #tpu.memory_space<hbm>> -> memref<632x64xf32, #tpu.memory_space<hbm>>
      %dma_wait3A_57 = arith.constant 0 : i32
      %dma_wait3A_58 = tpu.memref_slice %arg10[%mul3A_2, %dma_wait3A_57] : memref<10112x64xf32, #tpu.memory_space<vmem_shared>> -> memref<632x64xf32, #tpu.memory_space<vmem_shared>>
      tpu.wait_dma2 semaphore(%run_scoped3A : memref<!tpu.dma_semaphore, #tpu.memory_space<semaphore_mem>>) src(%dma_wait3A_58 : memref<632x64xf32, #tpu.memory_space<vmem_shared>>) dst(%dma_wait3A_56 : memref<632x64xf32, #tpu.memory_space<hbm>>)
      tpu.yield
    }) : () -> ()
    "tpu.region"() ({
      %run_scoped3A = tpu.sem_alloc : memref<!tpu.dma_semaphore, #tpu.memory_space<semaphore_mem>>
      %dma_start3A = arith.constant 0 : i32
      %dma_start3A_51 = tpu.memref_slice %arg6[%arg0, %mul3A_2, %dma_start3A] : memref<2x10112x16xf32, #tpu.memory_space<hbm>> -> memref<1x632x16xf32, #tpu.memory_space<hbm>>
      %dma_start3A_52 = tpu.memref_squeeze %dma_start3A_51 : memref<1x632x16xf32, #tpu.memory_space<hbm>> -> memref<632x16xf32, #tpu.memory_space<hbm>>
      %dma_start3A_53 = arith.constant 0 : i32
      %dma_start3A_54 = tpu.memref_slice %arg15[%mul3A_2, %dma_start3A_53] : memref<10112x16xf32, #tpu.memory_space<vmem_shared>> -> memref<632x16xf32, #tpu.memory_space<vmem_shared>>
      tpu.enqueue_dma source(%dma_start3A_54 : memref<632x16xf32, #tpu.memory_space<vmem_shared>>) target(%dma_start3A_52 : memref<632x16xf32, #tpu.memory_space<hbm>>) target_semaphore(%run_scoped3A : memref<!tpu.dma_semaphore, #tpu.memory_space<semaphore_mem>>)
      %dma_wait3A = arith.constant 0 : i32
      %dma_wait3A_55 = tpu.memref_slice %arg6[%arg0, %mul3A_2, %dma_wait3A] : memref<2x10112x16xf32, #tpu.memory_space<hbm>> -> memref<1x632x16xf32, #tpu.memory_space<hbm>>
      %dma_wait3A_56 = tpu.memref_squeeze %dma_wait3A_55 : memref<1x632x16xf32, #tpu.memory_space<hbm>> -> memref<632x16xf32, #tpu.memory_space<hbm>>
      %dma_wait3A_57 = arith.constant 0 : i32
      %dma_wait3A_58 = tpu.memref_slice %arg15[%mul3A_2, %dma_wait3A_57] : memref<10112x16xf32, #tpu.memory_space<vmem_shared>> -> memref<632x16xf32, #tpu.memory_space<vmem_shared>>
      tpu.wait_dma2 semaphore(%run_scoped3A : memref<!tpu.dma_semaphore, #tpu.memory_space<semaphore_mem>>) src(%dma_wait3A_58 : memref<632x16xf32, #tpu.memory_space<vmem_shared>>) dst(%dma_wait3A_56 : memref<632x16xf32, #tpu.memory_space<hbm>>)
      tpu.yield
    }) : () -> ()
    return
  }
}

module attributes {stable_mosaic.version = 14 : i64} {
  func.func @body(%arg0: i32, %arg1: memref<2x1000x64xf32, #tpu.memory_space<vmem>>, %arg2: memref<2x1000x16xf32, #tpu.memory_space<vmem>>, %arg3: memref<1000x128xf32, #tpu.memory_space<vmem>>, %arg4: memref<128x128xf32, #tpu.memory_space<vmem>>, %arg5: memref<128x128xf32, #tpu.memory_space<vmem>>, %arg6: memref<1x128xf32, #tpu.memory_space<vmem>>, %arg7: memref<1000x128xf32, #tpu.memory_space<vmem>>, %arg8: memref<2x1000x64xf32, #tpu.memory_space<vmem>>) attributes {dimension_semantics = [#tpu.dimension_semantics<arbitrary>], iteration_bounds = array<i64: 10>, scalar_prefetch = 0 : i64, scratch_operands = 0 : i64, tpu.core_type = #tpu.core_type<tc>, window_params = [{transform_indices = @transform_0, window_bounds = array<i64: 2, 1000, 64>}, {transform_indices = @transform_1, window_bounds = array<i64: 2, 1000, 16>}, {transform_indices = @transform_2, window_bounds = array<i64: 1000, 128>}, {pipeline_mode = #tpu.pipeline_mode<synchronous>, transform_indices = @transform_3, window_bounds = array<i64: 128, 128>}, {pipeline_mode = #tpu.pipeline_mode<synchronous>, transform_indices = @transform_4, window_bounds = array<i64: 128, 128>}, {pipeline_mode = #tpu.pipeline_mode<synchronous>, transform_indices = @transform_5, window_bounds = array<i64: 1, 128>}, {transform_indices = @transform_6, window_bounds = array<i64: 1000, 128>}, {transform_indices = @transform_7, window_bounds = array<i64: 2, 1000, 64>}]} {
    %get3A = arith.constant 0 : index
    %get3A_0 = arith.constant 0 : index
    %get3A_1 = arith.constant 0 : index
    %get3A_2 = vector.load %arg1[%get3A, %get3A_0, %get3A_1] : memref<2x1000x64xf32, #tpu.memory_space<vmem>>, vector<1x1000x64xf32>
    %get3A_3 = vector.shape_cast %get3A_2 : vector<1x1000x64xf32> to vector<1000x64xf32>
    %get3A_4 = arith.constant 1 : index
    %get3A_5 = arith.constant 0 : index
    %get3A_6 = arith.constant 0 : index
    %get3A_7 = vector.load %arg1[%get3A_4, %get3A_5, %get3A_6] : memref<2x1000x64xf32, #tpu.memory_space<vmem>>, vector<1x1000x64xf32>
    %get3A_8 = vector.shape_cast %get3A_7 : vector<1x1000x64xf32> to vector<1000x64xf32>
    %concatenate3A = tpu.concatenate %get3A_3, %get3A_8 in 1 : vector<1000x64xf32>, vector<1000x64xf32> -> vector<1000x128xf32>
    %get3A_9 = arith.constant 0 : index
    %get3A_10 = arith.constant 0 : index
    %get3A_11 = arith.constant 0 : index
    %get3A_12 = vector.load %arg2[%get3A_9, %get3A_10, %get3A_11] : memref<2x1000x16xf32, #tpu.memory_space<vmem>>, vector<1x1000x1xf32>
    %get3A_13 = vector.shape_cast %get3A_12 : vector<1x1000x1xf32> to vector<1000x1xf32>
    %get3A_14 = arith.constant 1 : index
    %get3A_15 = arith.constant 0 : index
    %get3A_16 = arith.constant 0 : index
    %get3A_17 = vector.load %arg2[%get3A_14, %get3A_15, %get3A_16] : memref<2x1000x16xf32, #tpu.memory_space<vmem>>, vector<1x1000x1xf32>
    %get3A_18 = vector.shape_cast %get3A_17 : vector<1x1000x1xf32> to vector<1000x1xf32>
    %add3A = arith.addf %get3A_13, %get3A_18 : vector<1000x1xf32>
    %max3A = arith.constant 1.000000e+00 : f32
    %max3A_19 = vector.broadcast %max3A : f32 to vector<1000x1xf32>
    %max3A_20 = arith.maximumf %add3A, %max3A_19 : vector<1000x1xf32>
    %div3A = vector.broadcast %max3A_20 : vector<1000x1xf32> to vector<1000x128xf32>
    %div3A_21 = arith.divf %concatenate3A, %div3A : vector<1000x128xf32>
    %get3A_22 = arith.constant 0 : index
    %get3A_23 = arith.constant 0 : index
    %get3A_24 = vector.load %arg4[%get3A_22, %get3A_23] : memref<128x128xf32, #tpu.memory_space<vmem>>, vector<128x128xf32>
    %dot_general3A = arith.constant dense<0.000000e+00> : vector<1000x128xf32>
    %dot_general3A_25 = tpu.matmul %div3A_21, %get3A_24, %dot_general3A {dimension_numbers = #tpu.dot_dimension_numbers<[1], [1], [0], [0], [0, 0, 1, 0], [], []>, transpose_lhs_hint = false} : vector<1000x128xf32>, vector<128x128xf32>, vector<1000x128xf32> -> vector<1000x128xf32>
    %get3A_26 = arith.constant 0 : index
    %get3A_27 = arith.constant 0 : index
    %get3A_28 = vector.load %arg3[%get3A_26, %get3A_27] : memref<1000x128xf32, #tpu.memory_space<vmem>>, vector<1000x128xf32>
    %get3A_29 = arith.constant 0 : index
    %get3A_30 = arith.constant 0 : index
    %get3A_31 = vector.load %arg5[%get3A_29, %get3A_30] : memref<128x128xf32, #tpu.memory_space<vmem>>, vector<128x128xf32>
    %dot_general3A_32 = arith.constant dense<0.000000e+00> : vector<1000x128xf32>
    %dot_general3A_33 = tpu.matmul %get3A_28, %get3A_31, %dot_general3A_32 {dimension_numbers = #tpu.dot_dimension_numbers<[1], [1], [0], [0], [0, 0, 1, 0], [], []>, transpose_lhs_hint = false} : vector<1000x128xf32>, vector<128x128xf32>, vector<1000x128xf32> -> vector<1000x128xf32>
    %add3A_34 = arith.addf %dot_general3A_25, %dot_general3A_33 : vector<1000x128xf32>
    %get3A_35 = arith.constant 0 : index
    %get3A_36 = arith.constant 0 : index
    %get3A_37 = vector.load %arg6[%get3A_35, %get3A_36] : memref<1x128xf32, #tpu.memory_space<vmem>>, vector<1x128xf32>
    %add3A_38 = vector.broadcast %get3A_37 : vector<1x128xf32> to vector<1000x128xf32>
    %add3A_39 = arith.addf %add3A_34, %add3A_38 : vector<1000x128xf32>
    %max3A_40 = arith.constant 0.000000e+00 : f32
    %max3A_41 = vector.broadcast %max3A_40 : f32 to vector<1000x128xf32>
    %max3A_42 = arith.maximumf %add3A_39, %max3A_41 : vector<1000x128xf32>
    %swap3A = arith.constant 0 : index
    %swap3A_43 = arith.constant 0 : index
    %swap3A_44 = vector.load %arg7[%swap3A, %swap3A_43] : memref<1000x128xf32, #tpu.memory_space<vmem>>, vector<1000x128xf32>
    tpu.vector_store %arg7[%swap3A, %swap3A_43], %max3A_42 {strides = array<i32>} : memref<1000x128xf32, #tpu.memory_space<vmem>>, vector<1000x128xf32>,
    %slice3A = vector.extract_strided_slice %max3A_42 {offsets = [0, 0], sizes = [1000, 64], strides = [1, 1]} : vector<1000x128xf32> to vector<1000x64xf32>
    %swap3A_45 = arith.constant 0 : index
    %swap3A_46 = arith.constant 0 : index
    %swap3A_47 = arith.constant 0 : index
    %swap3A_48 = vector.load %arg8[%swap3A_45, %swap3A_46, %swap3A_47] : memref<2x1000x64xf32, #tpu.memory_space<vmem>>, vector<1x1000x64xf32>
    %swap3A_49 = vector.shape_cast %swap3A_48 : vector<1x1000x64xf32> to vector<1000x64xf32>
    %swap3A_50 = vector.shape_cast %slice3A : vector<1000x64xf32> to vector<1x1000x64xf32>
    tpu.vector_store %arg8[%swap3A_45, %swap3A_46, %swap3A_47], %swap3A_50 {strides = array<i32>} : memref<2x1000x64xf32, #tpu.memory_space<vmem>>, vector<1x1000x64xf32>,
    %slice3A_51 = vector.extract_strided_slice %max3A_42 {offsets = [0, 64], sizes = [1000, 64], strides = [1, 1]} : vector<1000x128xf32> to vector<1000x64xf32>
    %swap3A_52 = arith.constant 1 : index
    %swap3A_53 = arith.constant 0 : index
    %swap3A_54 = arith.constant 0 : index
    %swap3A_55 = vector.load %arg8[%swap3A_52, %swap3A_53, %swap3A_54] : memref<2x1000x64xf32, #tpu.memory_space<vmem>>, vector<1x1000x64xf32>
    %swap3A_56 = vector.shape_cast %swap3A_55 : vector<1x1000x64xf32> to vector<1000x64xf32>
    %swap3A_57 = vector.shape_cast %slice3A_51 : vector<1000x64xf32> to vector<1x1000x64xf32>
    tpu.vector_store %arg8[%swap3A_52, %swap3A_53, %swap3A_54], %swap3A_57 {strides = array<i32>} : memref<2x1000x64xf32, #tpu.memory_space<vmem>>, vector<1x1000x64xf32>,
    return
  }
  func.func @transform_0(%arg0: i32) -> (i32, i32, i32) {
    %c0_i32 = arith.constant 0 : i32
    %c0_i32_0 = arith.constant 0 : i32
    %c0_i32_1 = arith.constant 0 : i32
    return %c0_i32, %arg0, %c0_i32_0 : i32, i32, i32
  }
  func.func @transform_1(%arg0: i32) -> (i32, i32, i32) {
    %c0_i32 = arith.constant 0 : i32
    %c0_i32_0 = arith.constant 0 : i32
    %c0_i32_1 = arith.constant 0 : i32
    return %c0_i32, %arg0, %c0_i32_0 : i32, i32, i32
  }
  func.func @transform_2(%arg0: i32) -> (i32, i32) {
    %c0_i32 = arith.constant 0 : i32
    %c0_i32_0 = arith.constant 0 : i32
    return %arg0, %c0_i32 : i32, i32
  }
  func.func @transform_3(%arg0: i32) -> (i32, i32) {
    %c0_i32 = arith.constant 0 : i32
    %c0_i32_0 = arith.constant 0 : i32
    %c0_i32_1 = arith.constant 0 : i32
    return %c0_i32, %c0_i32_0 : i32, i32
  }
  func.func @transform_4(%arg0: i32) -> (i32, i32) {
    %c0_i32 = arith.constant 0 : i32
    %c0_i32_0 = arith.constant 0 : i32
    %c0_i32_1 = arith.constant 0 : i32
    return %c0_i32, %c0_i32_0 : i32, i32
  }
  func.func @transform_5(%arg0: i32) -> (i32, i32) {
    %c0_i32 = arith.constant 0 : i32
    %c0_i32_0 = arith.constant 0 : i32
    %c0_i32_1 = arith.constant 0 : i32
    return %c0_i32, %c0_i32_0 : i32, i32
  }
  func.func @transform_6(%arg0: i32) -> (i32, i32) {
    %c0_i32 = arith.constant 0 : i32
    %c0_i32_0 = arith.constant 0 : i32
    return %arg0, %c0_i32 : i32, i32
  }
  func.func @transform_7(%arg0: i32) -> (i32, i32, i32) {
    %c0_i32 = arith.constant 0 : i32
    %c0_i32_0 = arith.constant 0 : i32
    %c0_i32_1 = arith.constant 0 : i32
    return %c0_i32, %arg0, %c0_i32_0 : i32, i32, i32
  }
}

module attributes {stable_mosaic.version = 14 : i64} {
  func.func @body(%arg0: i32, %arg1: memref<2x1000x64xf32, #tpu.memory_space<vmem>>, %arg2: memref<2x1000x16xf32, #tpu.memory_space<vmem>>, %arg3: memref<1000x128xf32, #tpu.memory_space<vmem>>, %arg4: memref<128x128xf32, #tpu.memory_space<vmem>>, %arg5: memref<128x128xf32, #tpu.memory_space<vmem>>, %arg6: memref<1x128xf32, #tpu.memory_space<vmem>>, %arg7: memref<1000x128xf32, #tpu.memory_space<vmem>>) attributes {dimension_semantics = [#tpu.dimension_semantics<arbitrary>], iteration_bounds = array<i64: 10>, scalar_prefetch = 0 : i64, scratch_operands = 0 : i64, tpu.core_type = #tpu.core_type<tc>, window_params = [{transform_indices = @transform_0, window_bounds = array<i64: 2, 1000, 64>}, {transform_indices = @transform_1, window_bounds = array<i64: 2, 1000, 16>}, {transform_indices = @transform_2, window_bounds = array<i64: 1000, 128>}, {pipeline_mode = #tpu.pipeline_mode<synchronous>, transform_indices = @transform_3, window_bounds = array<i64: 128, 128>}, {pipeline_mode = #tpu.pipeline_mode<synchronous>, transform_indices = @transform_4, window_bounds = array<i64: 128, 128>}, {pipeline_mode = #tpu.pipeline_mode<synchronous>, transform_indices = @transform_5, window_bounds = array<i64: 1, 128>}, {transform_indices = @transform_6, window_bounds = array<i64: 1000, 128>}]} {
    %get3A = arith.constant 0 : index
    %get3A_0 = arith.constant 0 : index
    %get3A_1 = arith.constant 0 : index
    %get3A_2 = vector.load %arg1[%get3A, %get3A_0, %get3A_1] : memref<2x1000x64xf32, #tpu.memory_space<vmem>>, vector<1x1000x64xf32>
    %get3A_3 = vector.shape_cast %get3A_2 : vector<1x1000x64xf32> to vector<1000x64xf32>
    %get3A_4 = arith.constant 1 : index
    %get3A_5 = arith.constant 0 : index
    %get3A_6 = arith.constant 0 : index
    %get3A_7 = vector.load %arg1[%get3A_4, %get3A_5, %get3A_6] : memref<2x1000x64xf32, #tpu.memory_space<vmem>>, vector<1x1000x64xf32>
    %get3A_8 = vector.shape_cast %get3A_7 : vector<1x1000x64xf32> to vector<1000x64xf32>
    %concatenate3A = tpu.concatenate %get3A_3, %get3A_8 in 1 : vector<1000x64xf32>, vector<1000x64xf32> -> vector<1000x128xf32>
    %get3A_9 = arith.constant 0 : index
    %get3A_10 = arith.constant 0 : index
    %get3A_11 = arith.constant 0 : index
    %get3A_12 = vector.load %arg2[%get3A_9, %get3A_10, %get3A_11] : memref<2x1000x16xf32, #tpu.memory_space<vmem>>, vector<1x1000x1xf32>
    %get3A_13 = vector.shape_cast %get3A_12 : vector<1x1000x1xf32> to vector<1000x1xf32>
    %get3A_14 = arith.constant 1 : index
    %get3A_15 = arith.constant 0 : index
    %get3A_16 = arith.constant 0 : index
    %get3A_17 = vector.load %arg2[%get3A_14, %get3A_15, %get3A_16] : memref<2x1000x16xf32, #tpu.memory_space<vmem>>, vector<1x1000x1xf32>
    %get3A_18 = vector.shape_cast %get3A_17 : vector<1x1000x1xf32> to vector<1000x1xf32>
    %add3A = arith.addf %get3A_13, %get3A_18 : vector<1000x1xf32>
    %max3A = arith.constant 1.000000e+00 : f32
    %max3A_19 = vector.broadcast %max3A : f32 to vector<1000x1xf32>
    %max3A_20 = arith.maximumf %add3A, %max3A_19 : vector<1000x1xf32>
    %div3A = vector.broadcast %max3A_20 : vector<1000x1xf32> to vector<1000x128xf32>
    %div3A_21 = arith.divf %concatenate3A, %div3A : vector<1000x128xf32>
    %get3A_22 = arith.constant 0 : index
    %get3A_23 = arith.constant 0 : index
    %get3A_24 = vector.load %arg4[%get3A_22, %get3A_23] : memref<128x128xf32, #tpu.memory_space<vmem>>, vector<128x128xf32>
    %dot_general3A = arith.constant dense<0.000000e+00> : vector<1000x128xf32>
    %dot_general3A_25 = tpu.matmul %div3A_21, %get3A_24, %dot_general3A {dimension_numbers = #tpu.dot_dimension_numbers<[1], [1], [0], [0], [0, 0, 1, 0], [], []>, transpose_lhs_hint = false} : vector<1000x128xf32>, vector<128x128xf32>, vector<1000x128xf32> -> vector<1000x128xf32>
    %get3A_26 = arith.constant 0 : index
    %get3A_27 = arith.constant 0 : index
    %get3A_28 = vector.load %arg3[%get3A_26, %get3A_27] : memref<1000x128xf32, #tpu.memory_space<vmem>>, vector<1000x128xf32>
    %get3A_29 = arith.constant 0 : index
    %get3A_30 = arith.constant 0 : index
    %get3A_31 = vector.load %arg5[%get3A_29, %get3A_30] : memref<128x128xf32, #tpu.memory_space<vmem>>, vector<128x128xf32>
    %dot_general3A_32 = arith.constant dense<0.000000e+00> : vector<1000x128xf32>
    %dot_general3A_33 = tpu.matmul %get3A_28, %get3A_31, %dot_general3A_32 {dimension_numbers = #tpu.dot_dimension_numbers<[1], [1], [0], [0], [0, 0, 1, 0], [], []>, transpose_lhs_hint = false} : vector<1000x128xf32>, vector<128x128xf32>, vector<1000x128xf32> -> vector<1000x128xf32>
    %add3A_34 = arith.addf %dot_general3A_25, %dot_general3A_33 : vector<1000x128xf32>
    %get3A_35 = arith.constant 0 : index
    %get3A_36 = arith.constant 0 : index
    %get3A_37 = vector.load %arg6[%get3A_35, %get3A_36] : memref<1x128xf32, #tpu.memory_space<vmem>>, vector<1x128xf32>
    %add3A_38 = vector.broadcast %get3A_37 : vector<1x128xf32> to vector<1000x128xf32>
    %add3A_39 = arith.addf %add3A_34, %add3A_38 : vector<1000x128xf32>
    %swap3A = arith.constant 0 : index
    %swap3A_40 = arith.constant 0 : index
    %swap3A_41 = vector.load %arg7[%swap3A, %swap3A_40] : memref<1000x128xf32, #tpu.memory_space<vmem>>, vector<1000x128xf32>
    tpu.vector_store %arg7[%swap3A, %swap3A_40], %add3A_39 {strides = array<i32>} : memref<1000x128xf32, #tpu.memory_space<vmem>>, vector<1000x128xf32>,
    return
  }
  func.func @transform_0(%arg0: i32) -> (i32, i32, i32) {
    %c0_i32 = arith.constant 0 : i32
    %c0_i32_0 = arith.constant 0 : i32
    %c0_i32_1 = arith.constant 0 : i32
    return %c0_i32, %arg0, %c0_i32_0 : i32, i32, i32
  }
  func.func @transform_1(%arg0: i32) -> (i32, i32, i32) {
    %c0_i32 = arith.constant 0 : i32
    %c0_i32_0 = arith.constant 0 : i32
    %c0_i32_1 = arith.constant 0 : i32
    return %c0_i32, %arg0, %c0_i32_0 : i32, i32, i32
  }
  func.func @transform_2(%arg0: i32) -> (i32, i32) {
    %c0_i32 = arith.constant 0 : i32
    %c0_i32_0 = arith.constant 0 : i32
    return %arg0, %c0_i32 : i32, i32
  }
  func.func @transform_3(%arg0: i32) -> (i32, i32) {
    %c0_i32 = arith.constant 0 : i32
    %c0_i32_0 = arith.constant 0 : i32
    %c0_i32_1 = arith.constant 0 : i32
    return %c0_i32, %c0_i32_0 : i32, i32
  }
  func.func @transform_4(%arg0: i32) -> (i32, i32) {
    %c0_i32 = arith.constant 0 : i32
    %c0_i32_0 = arith.constant 0 : i32
    %c0_i32_1 = arith.constant 0 : i32
    return %c0_i32, %c0_i32_0 : i32, i32
  }
  func.func @transform_5(%arg0: i32) -> (i32, i32) {
    %c0_i32 = arith.constant 0 : i32
    %c0_i32_0 = arith.constant 0 : i32
    %c0_i32_1 = arith.constant 0 : i32
    return %c0_i32, %c0_i32_0 : i32, i32
  }
  func.func @transform_6(%arg0: i32) -> (i32, i32) {
    %c0_i32 = arith.constant 0 : i32
    %c0_i32_0 = arith.constant 0 : i32
    return %arg0, %c0_i32 : i32, i32
  }
}

</mosaic_0001>

<sc_bundles>
// kernel: kernel.6.cloned.1.call-start
scs
__scs_entry_jumppad:
0x0: {  	(pc) =	sbr.rel $0x88, $3  }
0x1: {  	(tag) =	ssettag $0x0;
	lr =	simm.s32 $0x1  }
0x2: {  	[smem:$0x3F99] =	sst lr;
	_ =	strace $0xD0000000  }
0x3: {  	_ = 	snop  }
0x4: {  	_ = 	snop  }
0x5: {  	_ = 	snop  }
0x6: {  	_ = 	snop  }
0x7: {  	_ = 	snop  }
__scs_overlays_trampoline_lowered:
0x8: {  	[smem:$0x3FA8] =	sst s0  }
0x9: {  	[smem:$0x3FA9] =	sst s1  }
0xa: {  	[smem:$0x3FAA] =	sst s2  }
0xb: {  	[smem:$0x3FAB] =	sst s3  }
0xc: {  	[smem:$0x3FAC] =	sst s4  }
0xd: {  	[smem:$0x3FAD] =	sst s5  }
0xe: {  	[smem:$0x3FAE] =	sst s6  }
0xf: {  	[smem:$0x3FAF] =	sst s7  }
0x10: {  	[smem:$0x3FB0] =	sst s8  }
0x11: {  	[smem:$0x3FB1] =	sst s9;
	s0 =	simm.s32 @!p0 $0x0  }
0x12: {  	s1 =	sld [smem:$0x3F97];
	s0 =	simm.s32 @p0 $0x1  }
0x13: {  	[smem:$0x3FB2] =	sst s0;
	s0 =	simm.s32 @!p1 $0x0  }
0x14: {  	s2 =	sld [smem:$0x3F96];
	s0 =	simm.s32 @p1 $0x1  }
0x15: {  	[smem:$0x3FB3] =	sst s0;
	s0 =	simm.s32 @!p2 $0x0  }
0x16: {  	s3 =	sld [smem:$0x3FDB];
	s0 =	simm.s32 @p2 $0x1  }
0x17: {  	s4 =	simm.s32 $0x1BF5;
	[smem:$0x3FB5] =	sst s0  }
0x18: {  	s0 =	sld [smem:$0x3F98];
	_ =	swait.ge [sflag:s4], $0x0  }
0x19: {  	s7 =	sld [smem:$0x3F99]  }
0x1a: {  	s8 =	sadd.s32 $0xFFFFE003, lr  }
0x1b: {  	s9 =	sadd.s32 $0xFFFFFEF7, lr;
	s5 =	simm.s32 $0xFFFFFFFF;
	p2 =	slt.u32 s8, $0xFFFFF086  }
0x1c: {  	p1 =	slt.u32 s9, $0xF7A;
	s5 =	simm.s32 @!p2 $0x0  }
0x1d: {  	s5 =	simm.s32 @p1 $0x1;
	p0 =	seq.s32 s7, s2  }
0x1e: {  	s7 =	smul.u32 @!p0 $0xF7A, s2;
	p2 =	seq.s32 @!p0 s5, $0x0  }
0x1f: {  	s9 =	smul.u32 $0xF7A, s1;
	s8 =	simm.s32 @!p0 $0x1BF5;
	p2 =	por !p2, p0  }
0x20: {  	[sflag:s8] =	ssyncset.s32 @!p0 $0xFFFFF086;
	s6 =	sadd.s32 @!p0 s3, s7;
	s7 =	simm.s32 @!p0 $0x108  }
0x21: {  	s3 =	sadd.s32 s3, s9;
	s6 =	sadd.s32 @!p0 $0x88, s6;
	s7 =	simm.s32 @p2 $0x1082  }
0x22: {  	[simem:s7], [sflag:s8] =	dma.local @!p0 [hbm:s6], $0xF7A  }
0x23: {  	s9 =	sor.u32 $0xD0000000, s2;
	s6 =	simm.s32 $0x108;
	_ =	swait.ge @!p0 [sflag:s8], $0x0  }
0x24: {  	s3 =	sadd.s32 $0x88, s3;
	s6 =	simm.s32 @!p1 $0x1082;
	[sflag:s4] =	ssyncset.s32 $0xFFFFF086  }
0x25: {  	[simem:s6], [sflag:s4] =	dma.local [hbm:s3], $0xF7A  }
0x26: {  	[smem:$0x3F99] =	sst s1;
	(tag) =	ssettag s2;
	_ =	strace s9  }
0x27: {  	s1 =	sld [smem:$0x3FA9]  }
0x28: {  	s2 =	sld [smem:$0x3FAA]  }
0x29: {  	s4 =	sld [smem:$0x3FAC]  }
0x2a: {  	p0 =	seq.s32 s5, $0x0;
	s5 =	sld [smem:$0x3FAD]  }
0x2b: {  	s6 =	sld [smem:$0x3FAE]  }
0x2c: {  	s7 =	sld [smem:$0x3FAF]  }
0x2d: {  	s3 =	simm.s32 $0x108;
	s8 =	sld [smem:$0x3FB0]  }
0x2e: {  	s3 =	simm.s32 @!p0 $0x1082;
	s9 =	sld [smem:$0x3FB1]  }
0x2f: {  	lr =	sadd.s32 s0, s3;
	s0 =	sld [smem:$0x3FA8]  }
0x30: {  	s3 =	sld [smem:$0x3FAB]  }
0x31: {  	[smem:$0x3FB4] =	sst s10  }
0x32: {  	s10 =	sld [smem:$0x3FB2];
	_ =	sdelay $0x3  }
0x33: {  	p0 =	seq.s32 s10, $0x1;
	s10 =	sld [smem:$0x3FB4];
	_ =	sdelay $0x3  }
0x34: {  	[smem:$0x3FB4] =	sst s10  }
0x35: {  	s10 =	sld [smem:$0x3FB3];
	_ =	sdelay $0x3  }
0x36: {  	p1 =	seq.s32 s10, $0x1;
	s10 =	sld [smem:$0x3FB4];
	_ =	sdelay $0x3  }
0x37: {  	[smem:$0x3FB4] =	sst s10  }
0x38: {  	s10 =	sld [smem:$0x3FB5]  }
0x39: {  	_ = 	snop;
	(pc) =	sbr.ind lr, $3  }
0x3a: {  	_ = 	snop  }
0x3b: {  	_ = 	snop  }
0x3c: {  	p2 =	seq.s32 s10, $0x1;
	s10 =	sld [smem:$0x3FB4]  }
0x3d: {  	_ =	shalt  }
0x3e: {  	_ =	shalt  }
0x3f: {  	_ =	shalt  }
0x40: {  	_ =	shalt  }
0x41: {  	_ =	shalt  }
0x42: {  	_ =	shalt  }
0x43: {  	_ =	shalt  }
0x44: {  	_ =	shalt  }
0x45: {  	_ =	shalt  }
0x46: {  	_ =	shalt  }
0x47: {  	_ =	shalt  }
0x48: {  	_ =	shalt  }
0x49: {  	_ =	shalt  }
0x4a: {  	_ =	shalt  }
0x4b: {  	_ =	shalt  }
0x4c: {  	_ =	shalt  }
0x4d: {  	_ =	shalt  }
0x4e: {  	_ =	shalt  }
0x4f: {  	_ =	shalt  }
0x50: {  	_ =	shalt  }
0x51: {  	_ =	shalt  }
0x52: {  	_ =	shalt  }
0x53: {  	_ =	shalt  }
0x54: {  	_ =	shalt  }
0x55: {  	_ =	shalt  }
0x56: {  	_ =	shalt  }
0x57: {  	_ =	shalt  }
0x58: {  	_ =	shalt  }
0x59: {  	_ =	shalt  }
0x5a: {  	_ =	shalt  }
0x5b: {  	_ =	shalt  }
0x5c: {  	_ =	shalt  }
0x5d: {  	_ =	shalt  }
0x5e: {  	_ =	shalt  }
0x5f: {  	_ =	shalt  }
0x60: {  	_ =	shalt  }
0x61: {  	_ =	shalt  }
0x62: {  	_ =	shalt  }
0x63: {  	_ =	shalt  }
0x64: {  	_ =	shalt  }
0x65: {  	_ =	shalt  }
0x66: {  	_ =	shalt  }
0x67: {  	_ =	shalt  }
0x68: {  	_ =	shalt  }
0x69: {  	_ =	shalt  }
0x6a: {  	_ =	shalt  }
0x6b: {  	_ =	shalt  }
0x6c: {  	_ =	shalt  }
0x6d: {  	_ =	shalt  }
0x6e: {  	_ =	shalt  }
0x6f: {  	_ =	shalt  }
0x70: {  	_ =	shalt  }
0x71: {  	_ =	shalt  }
0x72: {  	_ =	shalt  }
0x73: {  	_ =	shalt  }
0x74: {  	_ =	shalt  }
0x75: {  	_ =	shalt  }
0x76: {  	_ =	shalt  }
0x77: {  	_ =	shalt  }
0x78: {  	_ =	shalt  }
0x79: {  	_ =	shalt  }
0x7a: {  	_ =	shalt  }
0x7b: {  	_ =	shalt  }
0x7c: {  	_ =	shalt  }
0x7d: {  	_ =	shalt  }
0x7e: {  	_ =	shalt  }
0x7f: {  	_ =	shalt  }
0x80: {  	_ =	shalt  }
0x81: {  	_ =	shalt  }
0x82: {  	_ =	shalt  }
0x83: {  	_ =	shalt  }
0x84: {  	_ =	shalt  }
0x85: {  	_ =	shalt  }
0x86: {  	_ =	shalt  }
0x87: {  	_ =	shalt  }
.Lfunc_end0:
.L_simem_size_0:
called_computation_lowered:
.L_overlay_start_0:
0x88: {  	s2 =	sld [smem:$0x3FD9]  }
0x89: {  	s3 =	sld [smem:$0x3FFE];
	_ =	sdelay $0x1  }
0x8a: {  	s1 =	srdreg.scid  }
0x8b: {  	s0 =	sand.u32 $0x1, s1  }
0x8c: {  	s17 =	sshll.u32 s0, $0xA;
	s2 =	sadd.s32 s3, s2  }
0x8d: {  	s2 =	sadd.s32 s2, s17  }
0x8e: {  	[smem:$0x3FC0] =	sst s2  }
0x8f: {  	_ = 	snop  }
0x90: {  	s2 =	sld [smem:$0x3FD0];
	(tm) =	ssettm $0x1  }
0x91: {  	s18 =	sld [smem:$0x3FFB];
	_ =	sdelay $0x3  }
0x92: {  	_ =	strace s18  }
0x93: {  	s3 =	sld [smem:$0x3FFC];
	_ =	sdelay $0x3  }
0x94: {  	_ =	strace s3  }
0x95: {  	s3 =	sld [smem:$0x3FFD];
	_ =	sdelay $0x3  }
0x96: {  	_ =	strace s3  }
0x97: {  	_ =	strace $0x8FFFFFFF  }
0x98: {  	s19 =	sld [smem:$0x3FDB];
	_ =	sdelay $0x1  }
0x99: {  	s4 =	simm.s32 $_scs_section_size  }
0x9a: {  	s5 =	simm.s32 $_size__tile_overlayer_lowered;
	s6 =	simm.s32 $_tile_overlayer_lowered  }
0x9b: {  	s22 =	simm.s32 $0x1BFF;
	s21 =	sshll.u32 s6, $0x1;
	s3 =	sadd.s32 s4, s19  }
0x9c: {  	s7 =	simm.s32 $0x0;
	s20 =	sshll.u32 s5, $0x1;
	s5 =	sadd.s32 s21, s3  }
0x9d: {  	[timem:s7], [sflag:s22] =	dma.local [hbm:s5], s20  }
0x9e: {  	_ =	swait.ge [sflag:s22], s20  }
0x9f: {  	s4 =	ssub.s32 $0x0, s20;
	[sflag:s22] =	ssyncset.done $0x0  }
0xa0: {  	[sflag:s22] =	ssyncadd.s32 s4;
	_ =	sdelay $0x1  }
0xa1: {  	s23 =	simm.s32 $0x1B8B  }
0xa2: {  	_ =	swait.ge [sflag:s23], $0x1  }
0xa3: {  	[sflag:s23] =	ssyncset.done $0x0  }
0xa4: {  	s25 =	simm.s32 $0x1B8E;
	s24 =	sld [smem:$0x3FFE];
	[sflag:s23] =	ssyncadd.s32 $0xFFFFFFFF  }
0xa5: {  	s26 =	simm.s32 $execute0_lowered;
	[smem:$0x3FD2] =	sst s25  }
0xa6: {  	s5 =	sshll.u32 s26, $0x1;
	_ =	strace $0x80000046;
	[dreg:$0x1] =	wrdreg $0xFFFFFFFF  }
0xa7: {  	s28 =	simm.s32 $_size_execute0_lowered;
	s3 =	sadd.s32 s3, s5;
	[dreg:$0x0] =	wrdreg $0x0  }
0xa8: {  	s5 =	sshll.u32 s28, $0x1;
	[dreg:$0x2] =	wrdreg s3  }
0xa9: {  	[dreg:$0x3] =	wrdreg s5  }
0xaa: {  	[dreg:$0x4] =	wrdreg $0xC0  }
0xab: {  	_ =	task [dreg:s7], $0x5FFFF  }
0xac: {  	[dreg:$0x1] =	wrdreg $0xFFFFFFFF  }
0xad: {  	[dreg:$0x0] =	wrdreg $0x60  }
0xae: {  	[dreg:$0x2] =	wrdreg s2  }
0xaf: {  	[dreg:$0x3] =	wrdreg s24  }
0xb0: {  	[dreg:$0x4] =	wrdreg $0xDE000  }
0xb1: {  	[dreg:$0x5] =	wrdreg $0x18C000  }
0xb2: {  	[dreg:$0x6] =	wrdreg $0x9  }
0xb3: {  	_ =	task.clear_ibuf [dreg:s7], $0x7FFFF;
	_ =	strace $0x90000046  }
0xb4: {  	s29 =	simm.s32 $0x9;
	_ =	strace $0x80000048  }
0xb5: {  	_ =	swait.ge [sflag:s29], $0x1  }
0xb6: {  	[sflag:s29] =	ssyncadd.s32 $0xFFFFFFFF  }
0xb7: {  	_ =	strace $0x90000048  }
0xb8: {  	_ =	sfence  }
0xb9: {  	s30 =	sld [smem:$0x0];
	_ =	sdelay $0x2  }
0xba: {  	s31 =	sshll.u32 s1, $0xD;
	s1 =	sshrl.u32 s1, $0x2  }
0xbb: {  	s3 =	sand.u32 $0x4000, s31;
	s1 =	sadd.s32 s1, s30  }
0xbc: {  	s0 =	sor.u32 s3, s0;
	s1 =	sshll.u32 s1, $0x11  }
0xbd: {  	s0 =	sor.u32 s1, s0  }
0xbe: {  	s0 =	sadd.s32 $0x8F2B, s0  }
0xbf: {  	[sflag:s0] =	ssyncadd.remote.s32 $0x1  }
0xc0: {  	_ =	sfence.sel $0xFFFF  }
0xc1: {  	[dreg:$0x0] =	wrdreg $0xFFFFFFFF;
	(pc) =	sbr.abs _section_cstart, $3  }
0xc2: {  	[dreg:$0x1] =	wrdreg $0xFFFFFFFF  }
0xc3: {  	_ =	task.clear_ibuf [dreg:s7], $0x2FFFF;
	_ =	strace $0x9FFFFFFF  }
0xc4: {  	(tm) =	ssettm $0x7FFFFFFF  }
0xc5: {  	_ =	shalt  }
tec
execute0_lowered:
.L_overlay_start_1:
0x0: {  	(tag) =	ssettag $0x1  }
0x1: {  	s0 =	srdreg.scid;
	s18 =	stileid.u32  }
0x2: {  	s7 =	rddreg [dreg:$0x1];
	s8 =	smul.u32 $0x9E0, s18  }
0x3: {  	s3 =	rddreg [dreg:$0x2];
	s9 =	smul.u32 $0x9E00, s18  }
0x4: {  	s4 =	rddreg [dreg:$0x3];
	s11 =	smul.u32 $0x2780, s18  }
0x5: {  	s5 =	simm.s32 $0x0;
	s14 =	sand.u32 $0x1, s0;
	s22 =	smul.u32 $0x278, s18  }
0x6: {  	s28 =	simm.s32 $0x2;
	s29 =	simm.s32 $0x17C00;
	s10 =	smul.u32 $0x9E000, s14  }
0x7: {  	[smem:$0x7FF] =	sst s5;
	s1 =	sshll.u32 s14, $0x4;
	s12 =	smul.u32 $0x27800, s14  }
0x8: {  	s21 =	ssub.s32 $0x2, s14;
	s31 =	sshll.u32 s14, $0x7;
	s2 =	sor.u32 s18, s1  }
0x9: {  	s1 =	rddreg [dreg:$0x0];
	_ =	strace $0x80000047;
	s16 =	sadd.s32 s8, s7  }
0xa: {  	s23 =	sshrl.u32 s21, $0x1;
	s24 =	sadd.s32 $0x100, s22;
	s13 =	sshrl.u32 s9, $0x2  }
0xb: {  	s6 =	smul.u32 $0x9E0, s2;
	s19 =	sadd.s32 s9, s10;
	s20 =	sadd.s32 s11, s12  }
0xc: {  	s12 =	sadd.s32 $0x200, s22;
	s25 =	sshll.u32 s24, $0x6;
	s13 =	sadd.s32 s13, s4  }
0xd: {  	s30 =	sshll.u32 s24, $0x4;
	s22 =	simm.s32 $0x18400;
	s24 =	simm.s32 $0x80  }
0xe: {  	s8 =	sshrl.u32 s20, $0x3;
	s26 =	sshll.u32 s12, $0x6;
	s10 =	sadd.s32 $0x800, s13  }
0xf: {  	s20 =	sshll.u32 s12, $0x4;
	s12 =	sadd.s32 $0x1800, s13;
	s15 =	sadd.s32 s6, s7  }
0x10: {  	s6 =	sshrl.u32 s19, $0x3;
	s18 =	sadd.s32 s8, s7;
	s19 =	ssub.s32 s21, s23  }
0x11: {  	s8 =	sadd.s32 s26, s3;
	s13 =	sadd.s32 s20, s4;
	s20 =	simm.s32 $0x9E00  }
0x12: {  	s21 =	simm.s32 $0x3;
	s23 =	simm.s32 $0x4F00;
	s26 =	simm.s32 $0x1  }
0x13: {  	s17 =	sadd.s32 s6, s7;
	s6 =	sadd.s32 s9, s3;
	s7 =	sadd.s32 s25, s3  }
0x14: {  	s9 =	sadd.s32 s11, s4;
	s11 =	sadd.s32 s30, s4;
	s14 =	sadd.s32 $0x1E00, s15  }
0x15: {  	s15 =	sadd.s32 $0x15A00, s16;
	s16 =	sor.u32 $0x4F00, s31;
	s18 =	sadd.s32 $0x47000, s18  }
0x16: {  	v0 =	vimm.f32 $0.0e+00;
	v1 =	vimm.f32 $1.000000000e+00;
	s19 =	smax.u32 s19, $0x1;
	s25 =	simm.s32 $0xBE00;
	s17 =	sadd.s32 $0x1F800, s17  }
.LBB2_1:
0x17: {  	s31 =	simm.s32 $0x100;
	s30 =	simm.s32 $0x0  }
.LBB2_2:
0x18: {  	p0 =	sne.s32 s31, $0xFF00;
	[tilespmem:s30+$0x9E30] =	vst v0;
	s2 =	smov.u32 s31;
	s31 =	sadd.s32 $0x100, s31  }
.Ltmp0:
0x19: {  	[tilespmem:s30+$0x9E20] =	vst v0;
	(pc) =	sbr.rel @p0 .LBB2_2-.Ltmp0, $3  }
0x1a: {  	[tilespmem:s30+$0x9E00] =	vst v0  }
0x1b: {  	[tilespmem:s30+$0x9E10] =	vst v0;
	_ =	sdelay $0x1  }
0x1c: {  	s30 =	sshra.s32 s2, $0x2  }
0x1d: {  	[tilespmem:s30+$0x9E30] =	vst v0  }
0x1e: {  	[tilespmem:s30+$0x9E20] =	vst v0  }
0x1f: {  	[tilespmem:s30+$0x9E00] =	vst v0  }
0x20: {  	[tilespmem:s30+$0x9E10] =	vst v0  }
0x21: {  	[spmem:s6] =	stream.linear.scatter [tilespmem:s20], [sflag:$0x3], $0x4000, $0x38;
	[tilespmem:$0x1B380] =	vst v63  }
0x22: {  	_ =	swait.ge [sflag:s21], $0x4000  }
0x23: {  	[sflag:s21] =	ssyncset.done $0x0  }
0x24: {  	[sflag:s21] =	ssyncadd.s32 $0xFFFFC000  }
0x25: {  	[spmem:s7] =	stream.linear.scatter [tilespmem:s20], [sflag:$0x3], $0x4000, $0x38;
	[tilespmem:$0x1B380] =	vst v63  }
0x26: {  	_ =	swait.ge [sflag:s21], $0x4000  }
0x27: {  	[sflag:s21] =	ssyncset.done $0x0  }
0x28: {  	[sflag:s21] =	ssyncadd.s32 $0xFFFFC000  }
0x29: {  	[spmem:s8] =	stream.linear.scatter [tilespmem:s20], [sflag:$0x3], $0x1E00, $0x38;
	[tilespmem:$0x1B380] =	vst v63  }
0x2a: {  	_ =	swait.ge [sflag:s21], $0x1E00  }
0x2b: {  	[sflag:s21] =	ssyncset.done $0x0  }
0x2c: {  	s30 =	simm.s32 $0x40;
	s31 =	simm.s32 $0x0;
	[sflag:s21] =	ssyncadd.s32 $0xFFFFE200  }
.LBB2_4:
0x2d: {  	p0 =	sne.s32 s30, $0x1FC0;
	[tilespmem:s31+$0x17C00] =	vst v1;
	s2 =	smov.u32 s30;
	s30 =	sadd.s32 $0x40, s30  }
.Ltmp1:
0x2e: {  	(pc) =	sbr.rel @p0 .LBB2_4-.Ltmp1, $2  }
0x2f: {  	_ =	sdelay $0x2  }
0x30: {  	s31 =	sshra.s32 s2, $0x2  }
0x31: {  	[tilespmem:s31+$0x17C00] =	vst v1;
	s30 =	simm.s32 $0x40;
	s31 =	simm.s32 $0x0  }
.LBB2_6:
0x32: {  	p0 =	sne.s32 s30, $0x1FC0;
	[tilespmem:s31+$0x18400] =	vst v0;
	s2 =	smov.u32 s30;
	s30 =	sadd.s32 $0x40, s30  }
.Ltmp2:
0x33: {  	(pc) =	sbr.rel @p0 .LBB2_6-.Ltmp2, $2  }
0x34: {  	_ =	sdelay $0x2  }
0x35: {  	s31 =	sshra.s32 s2, $0x2  }
0x36: {  	[tilespmem:s31+$0x18400] =	vst v0  }
0x37: {  	[spmem:s9] =	stream.linear.scatter [tilespmem:s22], [sflag:$0x3], $0x800, $0x38;
	[tilespmem:$0x1B380] =	vst v63  }
0x38: {  	_ =	swait.ge [sflag:s21], $0x800  }
0x39: {  	[sflag:s21] =	ssyncset.done $0x0  }
0x3a: {  	[sflag:s21] =	ssyncadd.s32 $0xFFFFF800  }
0x3b: {  	[spmem:s10] =	stream.linear.scatter [tilespmem:s22], [sflag:$0x3], $0x800, $0x38;
	[tilespmem:$0x1B380] =	vst v63  }
0x3c: {  	_ =	swait.ge [sflag:s21], $0x800  }
0x3d: {  	[sflag:s21] =	ssyncset.done $0x0  }
0x3e: {  	[sflag:s21] =	ssyncadd.s32 $0xFFFFF800  }
0x3f: {  	[spmem:s11] =	stream.linear.scatter [tilespmem:s22], [sflag:$0x3], $0x800, $0x38;
	[tilespmem:$0x1B380] =	vst v63  }
0x40: {  	_ =	swait.ge [sflag:s21], $0x800  }
0x41: {  	[sflag:s21] =	ssyncset.done $0x0  }
0x42: {  	[sflag:s21] =	ssyncadd.s32 $0xFFFFF800  }
0x43: {  	[spmem:s12] =	stream.linear.scatter [tilespmem:s22], [sflag:$0x3], $0x800, $0x38;
	[tilespmem:$0x1B380] =	vst v63  }
0x44: {  	_ =	swait.ge [sflag:s21], $0x800  }
0x45: {  	[sflag:s21] =	ssyncset.done $0x0  }
0x46: {  	[sflag:s21] =	ssyncadd.s32 $0xFFFFF800  }
0x47: {  	[spmem:s13] =	stream.linear.scatter [tilespmem:s22], [sflag:$0x3], $0x780, $0x38;
	[tilespmem:$0x1B380] =	vst v63  }
0x48: {  	_ =	swait.ge [sflag:s21], $0x780  }
0x49: {  	[sflag:s21] =	ssyncset.done $0x0  }
0x4a: {  	s2 =	simm.s32 $0x0;
	[sflag:s21] =	ssyncadd.s32 $0xFFFFF880  }
0x4b: {  	[tilespmem:s2], [sflag:$0x3] =	stream.linear.gather [hbm4b:s14+s2], $0x4F00, $0x38;
	[tilespmem:$0x1B380] =	vst v63  }
0x4c: {  	_ =	swait.ge [sflag:s21], $0x4F00  }
0x4d: {  	[sflag:s21] =	ssyncset.done $0x0  }
0x4e: {  	[sflag:s21] =	ssyncadd.s32 $0xFFFFB100  }
0x4f: {  	[tilespmem:s23], [sflag:$0x3] =	stream.linear.gather [hbm4b:s15+s2], $0x4F00, $0x38;
	[tilespmem:$0x1B380] =	vst v63  }
0x50: {  	_ =	swait.ge [sflag:s21], $0x4F00  }
0x51: {  	[sflag:s21] =	ssyncset.done $0x0  }
0x52: {  	[sflag:s21] =	ssyncadd.s32 $0xFFFFB100  }
0x53: {  	s0 =	simm.s32 $0x0;
	[bflag:$0x0] =	sbarrier.arrive $0xFFFF  }
0x54: {  	[tilespmem:s20], [sflag:$0x1] =	stream.indirect.gather [hbm4b:s1+s24], $0x40, s0, s24, $0xb8;
	[tilespmem:$0x1B380] =	vst v63  }
0x55: {  	s0 =	simm.s32 $0x80  }
0x56: {  	[tilespmem:s25], [sflag:$0x2] =	stream.indirect.gather [hbm4b:s1+s24], $0x40, s0, s24, $0xb8;
	[tilespmem:$0x1B380] =	vst v63  }
0x57: {  	_ =	swait.ge [sflag:s26], $0x2000  }
0x58: {  	[sflag:s26] =	ssyncset.done $0x0  }
0x59: {  	[sflag:s26] =	ssyncadd.s32 $0xFFFFE000  }
0x5a: {  	_ =	swait.ge [sflag:s28], $0x2000  }
0x5b: {  	[sflag:s28] =	ssyncset.done $0x0  }
0x5c: {  	s0 =	simm.s32 $0x4F00;
	[sflag:s28] =	ssyncadd.s32 $0xFFFFE000  }
0x5d: {  	[spmem:s3] =	stream.indirect.scatter.add.f32 [tilespmem:s20], [sflag:$0x3], $0x40, s0, s24, $0xb8;
	[tilespmem:$0x1B380] =	vst v63  }
0x5e: {  	_ =	swait.ge [sflag:s21], $0x2000  }
0x5f: {  	[sflag:s21] =	ssyncset.done $0x0  }
0x60: {  	s0 =	simm.s32 $0x4F80;
	[sflag:s21] =	ssyncadd.s32 $0xFFFFE000  }
0x61: {  	[spmem:s3] =	stream.indirect.scatter.add.f32 [tilespmem:s25], [sflag:$0x3], $0x40, s0, s24, $0xb8;
	[tilespmem:$0x1B380] =	vst v63  }
0x62: {  	_ =	swait.ge [sflag:s21], $0x2000  }
0x63: {  	[sflag:s21] =	ssyncset.done $0x0  }
0x64: {  	s0 =	sadd.s32 $0x0, s16;
	[sflag:s21] =	ssyncadd.s32 $0xFFFFE000  }
0x65: {  	[spmem:s4] =	stream.indirect.scatter.add.f32 [tilespmem:s29], [sflag:$0x3], $0x10, s0, s24, $0xb8;
	[tilespmem:$0x1B380] =	vst v63  }
0x66: {  	_ =	swait.ge [sflag:s21], $0x800  }
0x67: {  	s30 =	simm.s32 $0x400;
	s31 =	simm.s32 $0x800;
	[sflag:s21] =	ssyncset.done $0x0  }
.LBB2_8:
0x68: {  	s2 =	sshra.s32 s30, $0x2  }
0x69: {  	[sflag:s21] =	ssyncadd.s32 $0xFFFFF800;
	s30 =	smov.u32 s31;
	s0 =	sadd.s32 $0x400, s31  }
0x6a: {  	[tilespmem:s20], [sflag:$0x1] =	stream.indirect.gather [hbm4b:s1+s24], $0x40, s2, s24, $0xb8;
	[tilespmem:$0x1B380] =	vst v63  }
0x6b: {  	p0 =	sne.s32 s31, $0x13800;
	s31 =	sadd.s32 $0x80, s2  }
0x6c: {  	[tilespmem:s25], [sflag:$0x2] =	stream.indirect.gather [hbm4b:s1+s24], $0x40, s31, s24, $0xb8;
	[tilespmem:$0x1B380] =	vst v63  }
0x6d: {  	_ =	swait.ge [sflag:s26], $0x2000  }
0x6e: {  	[sflag:s26] =	ssyncset.done $0x0  }
0x6f: {  	[sflag:s26] =	ssyncadd.s32 $0xFFFFE000  }
0x70: {  	_ =	swait.ge [sflag:s28], $0x2000  }
0x71: {  	[sflag:s28] =	ssyncset.done $0x0  }
0x72: {  	s31 =	sadd.s32 $0x4F00, s2;
	[sflag:s28] =	ssyncadd.s32 $0xFFFFE000  }
0x73: {  	[spmem:s3] =	stream.indirect.scatter.add.f32 [tilespmem:s20], [sflag:$0x3], $0x40, s31, s24, $0xb8;
	[tilespmem:$0x1B380] =	vst v63  }
0x74: {  	_ =	swait.ge [sflag:s21], $0x2000  }
0x75: {  	[sflag:s21] =	ssyncset.done $0x0  }
0x76: {  	s31 =	sadd.s32 $0x4F80, s2;
	[sflag:s21] =	ssyncadd.s32 $0xFFFFE000  }
0x77: {  	[spmem:s3] =	stream.indirect.scatter.add.f32 [tilespmem:s25], [sflag:$0x3], $0x40, s31, s24, $0xb8;
	[tilespmem:$0x1B380] =	vst v63  }
0x78: {  	_ =	swait.ge [sflag:s21], $0x2000  }
.Ltmp3:
0x79: {  	[sflag:s21] =	ssyncset.done $0x0;
	(pc) =	sbr.rel @p0 .LBB2_8-.Ltmp3, $4  }
0x7a: {  	s2 =	sadd.s32 s2, s16;
	[sflag:s21] =	ssyncadd.s32 $0xFFFFE000  }
0x7b: {  	[spmem:s4] =	stream.indirect.scatter.add.f32 [tilespmem:s29], [sflag:$0x3], $0x10, s2, s24, $0xb8;
	[tilespmem:$0x1B380] =	vst v63  }
0x7c: {  	_ =	swait.ge [sflag:s21], $0x800  }
0x7d: {  	s31 =	smov.u32 s0;
	[sflag:s21] =	ssyncset.done $0x0  }
0x7e: {  	s0 =	sshra.s32 s30, $0x2;
	[sflag:s21] =	ssyncadd.s32 $0xFFFFF800  }
0x7f: {  	[tilespmem:s20], [sflag:$0x1] =	stream.indirect.gather [hbm4b:s1+s24], $0x40, s0, s24, $0xb8;
	[tilespmem:$0x1B380] =	vst v63  }
0x80: {  	s2 =	sadd.s32 $0x80, s0  }
0x81: {  	[tilespmem:s25], [sflag:$0x2] =	stream.indirect.gather [hbm4b:s1+s24], $0x40, s2, s24, $0xb8;
	[tilespmem:$0x1B380] =	vst v63  }
0x82: {  	_ =	swait.ge [sflag:s26], $0x2000  }
0x83: {  	[sflag:s26] =	ssyncset.done $0x0  }
0x84: {  	[sflag:s26] =	ssyncadd.s32 $0xFFFFE000  }
0x85: {  	_ =	swait.ge [sflag:s28], $0x2000  }
0x86: {  	[sflag:s28] =	ssyncset.done $0x0  }
0x87: {  	s30 =	sadd.s32 $0x4F00, s0;
	[sflag:s28] =	ssyncadd.s32 $0xFFFFE000  }
0x88: {  	[spmem:s3] =	stream.indirect.scatter.add.f32 [tilespmem:s20], [sflag:$0x3], $0x40, s30, s24, $0xb8;
	[tilespmem:$0x1B380] =	vst v63  }
0x89: {  	_ =	swait.ge [sflag:s21], $0x2000  }
0x8a: {  	[sflag:s21] =	ssyncset.done $0x0  }
0x8b: {  	s31 =	sadd.s32 $0x4F80, s0;
	[sflag:s21] =	ssyncadd.s32 $0xFFFFE000  }
0x8c: {  	[spmem:s3] =	stream.indirect.scatter.add.f32 [tilespmem:s25], [sflag:$0x3], $0x40, s31, s24, $0xb8;
	[tilespmem:$0x1B380] =	vst v63  }
0x8d: {  	_ =	swait.ge [sflag:s21], $0x2000  }
0x8e: {  	[sflag:s21] =	ssyncset.done $0x0  }
0x8f: {  	s0 =	sadd.s32 s0, s16;
	[sflag:s21] =	ssyncadd.s32 $0xFFFFE000  }
0x90: {  	[spmem:s4] =	stream.indirect.scatter.add.f32 [tilespmem:s29], [sflag:$0x3], $0x10, s0, s24, $0xb8;
	[tilespmem:$0x1B380] =	vst v63  }
0x91: {  	_ =	swait.ge [sflag:s21], $0x800  }
0x92: {  	s2 =	stileid.u32;
	[sflag:s21] =	ssyncset.done $0x0  }
0x93: {  	s0 =	sshll.u32 s2, $0x6;
	[sflag:s21] =	ssyncadd.s32 $0xFFFFF800  }
0x94: {  	s30 =	sshrl.u32 s6, $0x3;
	s0 =	sor.u32 $0x1C03, s0;
	[bflag:$0x0] =	sbarrier.arrive $0xFFFF  }
0x95: {  	[hbm:s17], [sflag:s0] =	dma.local [spmem:s30], $0x13C0  }
0x96: {  	s5 =	sadd.s32 $0x1, s5;
	_ =	swait.ge [sflag:s21], $0x13C0  }
0x97: {  	p0 =	sne.s32 s5, s19;
	[sflag:s21] =	ssyncset.done $0x0  }
.Ltmp4:
0x98: {  	s31 =	sshrl.u32 s9, $0x3;
	[sflag:s21] =	ssyncadd.s32 $0xFFFFEC40;
	(pc) =	sbr.rel @p0 .LBB2_1-.Ltmp4, $4  }
0x99: {  	[hbm:s18], [sflag:s0] =	dma.local [spmem:s31], $0x4F0  }
0x9a: {  	_ =	swait.ge [sflag:s21], $0x4F0  }
0x9b: {  	[sflag:s21] =	ssyncset.done $0x0  }
0x9c: {  	[sflag:s21] =	ssyncadd.s32 $0xFFFFFB10  }
0x9d: {  	_ =	sfence.sel $0x180000  }
0x9e: {  	[bflag:$0x0] =	sbarrier.arrive $0xFFFF  }
0x9f: {  	_ =	strace $0x90000047  }
0xa0: {  	s0 =	stileid.u32;
	[bflag:$0x2] =	sbarrier.arrive $0xFFFF  }
0xa1: {  	p0 =	sne.s32 s0, $0x0;
	s0 =	rddreg [dreg:$0x4]  }
0xa2: {  	s0 =	sadd.s32 @!p0 $0x100000, s0  }
0xa3: {  	[sflag:s0] =	ssyncadd.tile.s32 @!p0 $0x1;
	_ =	shalt  }
.Lfunc_end2:
_tile_overlayer_lowered:
.L_overlay_start_2:
0xa4: {  	(tag) =	ssettag $0x2  }
0xa5: {  	s0 =	rddreg [dreg:$0x0];
	s2 =	stileid.u32  }
0xa6: {  	s1 =	rddreg [dreg:$0x1];
	p0 =	sne.s32 s2, $0x0  }
0xa7: {  	s3 =	rddreg [dreg:$0x2];
	[bflag:$0x3] =	sbarrier.arrive $0xFFFF;
	s2 =	simm.s32 @!p0 $0x1C03  }
0xa8: {  	[timem:s3], [sflag:s2] =	dma.local @!p0 [hbm:s0], s1  }
0xa9: {  	s0 =	simm.s32 @!p0 $0x3  }
0xaa: {  	_ =	swait.ge @!p0 [sflag:s0], s1  }
0xab: {  	s1 =	ssub.s32 @!p0 $0x0, s1;
	[sflag:s0] =	ssyncset.done @!p0 $0x0  }
0xac: {  	[sflag:s0] =	ssyncadd.s32 @!p0 s1  }
0xad: {  	[bflag:$0x3] =	sbarrier.arrive $0xFFFF  }
0xae: {  	_ =	shalt  }

// kernel: kernel.9.cloned.1.call-start
scs
__scs_entry_jumppad:
0x0: {  	(pc) =	sbr.rel $0x88, $3  }
0x1: {  	(tag) =	ssettag $0x0;
	lr =	simm.s32 $0x1  }
0x2: {  	[smem:$0x3F99] =	sst lr;
	_ =	strace $0xD0000000  }
0x3: {  	_ = 	snop  }
0x4: {  	_ = 	snop  }
0x5: {  	_ = 	snop  }
0x6: {  	_ = 	snop  }
0x7: {  	_ = 	snop  }
__scs_overlays_trampoline_lowered:
0x8: {  	[smem:$0x3FA8] =	sst s0  }
0x9: {  	[smem:$0x3FA9] =	sst s1  }
0xa: {  	[smem:$0x3FAA] =	sst s2  }
0xb: {  	[smem:$0x3FAB] =	sst s3  }
0xc: {  	[smem:$0x3FAC] =	sst s4  }
0xd: {  	[smem:$0x3FAD] =	sst s5  }
0xe: {  	[smem:$0x3FAE] =	sst s6  }
0xf: {  	[smem:$0x3FAF] =	sst s7  }
0x10: {  	[smem:$0x3FB0] =	sst s8  }
0x11: {  	[smem:$0x3FB1] =	sst s9;
	s0 =	simm.s32 @!p0 $0x0  }
0x12: {  	s1 =	sld [smem:$0x3F97];
	s0 =	simm.s32 @p0 $0x1  }
0x13: {  	[smem:$0x3FB2] =	sst s0;
	s0 =	simm.s32 @!p1 $0x0  }
0x14: {  	s2 =	sld [smem:$0x3F96];
	s0 =	simm.s32 @p1 $0x1  }
0x15: {  	[smem:$0x3FB3] =	sst s0;
	s0 =	simm.s32 @!p2 $0x0  }
0x16: {  	s3 =	sld [smem:$0x3FDB];
	s0 =	simm.s32 @p2 $0x1  }
0x17: {  	s4 =	simm.s32 $0x1BF5;
	[smem:$0x3FB5] =	sst s0  }
0x18: {  	s0 =	sld [smem:$0x3F98];
	_ =	swait.ge [sflag:s4], $0x0  }
0x19: {  	s7 =	sld [smem:$0x3F99]  }
0x1a: {  	s8 =	sadd.s32 $0xFFFFE003, lr  }
0x1b: {  	s9 =	sadd.s32 $0xFFFFFEF7, lr;
	s5 =	simm.s32 $0xFFFFFFFF;
	p2 =	slt.u32 s8, $0xFFFFF086  }
0x1c: {  	p1 =	slt.u32 s9, $0xF7A;
	s5 =	simm.s32 @!p2 $0x0  }
0x1d: {  	s5 =	simm.s32 @p1 $0x1;
	p0 =	seq.s32 s7, s2  }
0x1e: {  	s7 =	smul.u32 @!p0 $0xF7A, s2;
	p2 =	seq.s32 @!p0 s5, $0x0  }
0x1f: {  	s9 =	smul.u32 $0xF7A, s1;
	s8 =	simm.s32 @!p0 $0x1BF5;
	p2 =	por !p2, p0  }
0x20: {  	[sflag:s8] =	ssyncset.s32 @!p0 $0xFFFFF086;
	s6 =	sadd.s32 @!p0 s3, s7;
	s7 =	simm.s32 @!p0 $0x108  }
0x21: {  	s3 =	sadd.s32 s3, s9;
	s6 =	sadd.s32 @!p0 $0x88, s6;
	s7 =	simm.s32 @p2 $0x1082  }
0x22: {  	[simem:s7], [sflag:s8] =	dma.local @!p0 [hbm:s6], $0xF7A  }
0x23: {  	s9 =	sor.u32 $0xD0000000, s2;
	s6 =	simm.s32 $0x108;
	_ =	swait.ge @!p0 [sflag:s8], $0x0  }
0x24: {  	s3 =	sadd.s32 $0x88, s3;
	s6 =	simm.s32 @!p1 $0x1082;
	[sflag:s4] =	ssyncset.s32 $0xFFFFF086  }
0x25: {  	[simem:s6], [sflag:s4] =	dma.local [hbm:s3], $0xF7A  }
0x26: {  	[smem:$0x3F99] =	sst s1;
	(tag) =	ssettag s2;
	_ =	strace s9  }
0x27: {  	s1 =	sld [smem:$0x3FA9]  }
0x28: {  	s2 =	sld [smem:$0x3FAA]  }
0x29: {  	s4 =	sld [smem:$0x3FAC]  }
0x2a: {  	p0 =	seq.s32 s5, $0x0;
	s5 =	sld [smem:$0x3FAD]  }
0x2b: {  	s6 =	sld [smem:$0x3FAE]  }
0x2c: {  	s7 =	sld [smem:$0x3FAF]  }
0x2d: {  	s3 =	simm.s32 $0x108;
	s8 =	sld [smem:$0x3FB0]  }
0x2e: {  	s3 =	simm.s32 @!p0 $0x1082;
	s9 =	sld [smem:$0x3FB1]  }
0x2f: {  	lr =	sadd.s32 s0, s3;
	s0 =	sld [smem:$0x3FA8]  }
0x30: {  	s3 =	sld [smem:$0x3FAB]  }
0x31: {  	[smem:$0x3FB4] =	sst s10  }
0x32: {  	s10 =	sld [smem:$0x3FB2];
	_ =	sdelay $0x3  }
0x33: {  	p0 =	seq.s32 s10, $0x1;
	s10 =	sld [smem:$0x3FB4];
	_ =	sdelay $0x3  }
0x34: {  	[smem:$0x3FB4] =	sst s10  }
0x35: {  	s10 =	sld [smem:$0x3FB3];
	_ =	sdelay $0x3  }
0x36: {  	p1 =	seq.s32 s10, $0x1;
	s10 =	sld [smem:$0x3FB4];
	_ =	sdelay $0x3  }
0x37: {  	[smem:$0x3FB4] =	sst s10  }
0x38: {  	s10 =	sld [smem:$0x3FB5]  }
0x39: {  	_ = 	snop;
	(pc) =	sbr.ind lr, $3  }
0x3a: {  	_ = 	snop  }
0x3b: {  	_ = 	snop  }
0x3c: {  	p2 =	seq.s32 s10, $0x1;
	s10 =	sld [smem:$0x3FB4]  }
0x3d: {  	_ =	shalt  }
0x3e: {  	_ =	shalt  }
0x3f: {  	_ =	shalt  }
0x40: {  	_ =	shalt  }
0x41: {  	_ =	shalt  }
0x42: {  	_ =	shalt  }
0x43: {  	_ =	shalt  }
0x44: {  	_ =	shalt  }
0x45: {  	_ =	shalt  }
0x46: {  	_ =	shalt  }
0x47: {  	_ =	shalt  }
0x48: {  	_ =	shalt  }
0x49: {  	_ =	shalt  }
0x4a: {  	_ =	shalt  }
0x4b: {  	_ =	shalt  }
0x4c: {  	_ =	shalt  }
0x4d: {  	_ =	shalt  }
0x4e: {  	_ =	shalt  }
0x4f: {  	_ =	shalt  }
0x50: {  	_ =	shalt  }
0x51: {  	_ =	shalt  }
0x52: {  	_ =	shalt  }
0x53: {  	_ =	shalt  }
0x54: {  	_ =	shalt  }
0x55: {  	_ =	shalt  }
0x56: {  	_ =	shalt  }
0x57: {  	_ =	shalt  }
0x58: {  	_ =	shalt  }
0x59: {  	_ =	shalt  }
0x5a: {  	_ =	shalt  }
0x5b: {  	_ =	shalt  }
0x5c: {  	_ =	shalt  }
0x5d: {  	_ =	shalt  }
0x5e: {  	_ =	shalt  }
0x5f: {  	_ =	shalt  }
0x60: {  	_ =	shalt  }
0x61: {  	_ =	shalt  }
0x62: {  	_ =	shalt  }
0x63: {  	_ =	shalt  }
0x64: {  	_ =	shalt  }
0x65: {  	_ =	shalt  }
0x66: {  	_ =	shalt  }
0x67: {  	_ =	shalt  }
0x68: {  	_ =	shalt  }
0x69: {  	_ =	shalt  }
0x6a: {  	_ =	shalt  }
0x6b: {  	_ =	shalt  }
0x6c: {  	_ =	shalt  }
0x6d: {  	_ =	shalt  }
0x6e: {  	_ =	shalt  }
0x6f: {  	_ =	shalt  }
0x70: {  	_ =	shalt  }
0x71: {  	_ =	shalt  }
0x72: {  	_ =	shalt  }
0x73: {  	_ =	shalt  }
0x74: {  	_ =	shalt  }
0x75: {  	_ =	shalt  }
0x76: {  	_ =	shalt  }
0x77: {  	_ =	shalt  }
0x78: {  	_ =	shalt  }
0x79: {  	_ =	shalt  }
0x7a: {  	_ =	shalt  }
0x7b: {  	_ =	shalt  }
0x7c: {  	_ =	shalt  }
0x7d: {  	_ =	shalt  }
0x7e: {  	_ =	shalt  }
0x7f: {  	_ =	shalt  }
0x80: {  	_ =	shalt  }
0x81: {  	_ =	shalt  }
0x82: {  	_ =	shalt  }
0x83: {  	_ =	shalt  }
0x84: {  	_ =	shalt  }
0x85: {  	_ =	shalt  }
0x86: {  	_ =	shalt  }
0x87: {  	_ =	shalt  }
.Lfunc_end0:
.L_simem_size_0:
called_computation.1_lowered:
.L_overlay_start_0:
0x88: {  	s2 =	sld [smem:$0x3FD9]  }
0x89: {  	s3 =	sld [smem:$0x3FFE];
	_ =	sdelay $0x1  }
0x8a: {  	s1 =	srdreg.scid  }
0x8b: {  	s0 =	sand.u32 $0x1, s1  }
0x8c: {  	s17 =	sshll.u32 s0, $0xA;
	s2 =	sadd.s32 s3, s2  }
0x8d: {  	s2 =	sadd.s32 s2, s17  }
0x8e: {  	[smem:$0x3FC0] =	sst s2  }
0x8f: {  	_ = 	snop  }
0x90: {  	s2 =	sld [smem:$0x3FD0];
	(tm) =	ssettm $0x1  }
0x91: {  	s18 =	sld [smem:$0x3FFB];
	_ =	sdelay $0x3  }
0x92: {  	_ =	strace s18  }
0x93: {  	s3 =	sld [smem:$0x3FFC];
	_ =	sdelay $0x3  }
0x94: {  	_ =	strace s3  }
0x95: {  	s3 =	sld [smem:$0x3FFD];
	_ =	sdelay $0x3  }
0x96: {  	_ =	strace s3  }
0x97: {  	_ =	strace $0x8FFFFFFF  }
0x98: {  	s19 =	sld [smem:$0x3FDB];
	_ =	sdelay $0x1  }
0x99: {  	s4 =	simm.s32 $_scs_section_size  }
0x9a: {  	s5 =	simm.s32 $_size__tile_overlayer_lowered;
	s6 =	simm.s32 $_tile_overlayer_lowered  }
0x9b: {  	s22 =	simm.s32 $0x1BFF;
	s21 =	sshll.u32 s6, $0x1;
	s3 =	sadd.s32 s4, s19  }
0x9c: {  	s7 =	simm.s32 $0x0;
	s20 =	sshll.u32 s5, $0x1;
	s5 =	sadd.s32 s21, s3  }
0x9d: {  	[timem:s7], [sflag:s22] =	dma.local [hbm:s5], s20  }
0x9e: {  	_ =	swait.ge [sflag:s22], s20  }
0x9f: {  	s4 =	ssub.s32 $0x0, s20;
	[sflag:s22] =	ssyncset.done $0x0  }
0xa0: {  	[sflag:s22] =	ssyncadd.s32 s4;
	_ =	sdelay $0x1  }
0xa1: {  	s23 =	simm.s32 $0x1B8B  }
0xa2: {  	_ =	swait.ge [sflag:s23], $0x1  }
0xa3: {  	[sflag:s23] =	ssyncset.done $0x0  }
0xa4: {  	s25 =	simm.s32 $0x1B8E;
	s24 =	sld [smem:$0x3FFE];
	[sflag:s23] =	ssyncadd.s32 $0xFFFFFFFF  }
0xa5: {  	s26 =	simm.s32 $execute0_lowered;
	[smem:$0x3FD2] =	sst s25  }
0xa6: {  	s5 =	sshll.u32 s26, $0x1;
	_ =	strace $0x80000049;
	[dreg:$0x1] =	wrdreg $0xFFFFFFFF  }
0xa7: {  	s28 =	simm.s32 $_size_execute0_lowered;
	s3 =	sadd.s32 s3, s5;
	[dreg:$0x0] =	wrdreg $0x0  }
0xa8: {  	s5 =	sshll.u32 s28, $0x1;
	[dreg:$0x2] =	wrdreg s3  }
0xa9: {  	[dreg:$0x3] =	wrdreg s5  }
0xaa: {  	[dreg:$0x4] =	wrdreg $0xC0  }
0xab: {  	_ =	task [dreg:s7], $0x5FFFF  }
0xac: {  	[dreg:$0x1] =	wrdreg $0xFFFFFFFF  }
0xad: {  	[dreg:$0x0] =	wrdreg $0x60  }
0xae: {  	[dreg:$0x2] =	wrdreg s2  }
0xaf: {  	[dreg:$0x3] =	wrdreg s24  }
0xb0: {  	[dreg:$0x4] =	wrdreg $0xDE000  }
0xb1: {  	[dreg:$0x5] =	wrdreg $0x9  }
0xb2: {  	_ =	task.clear_ibuf [dreg:s7], $0x6FFFF;
	_ =	strace $0x90000049  }
0xb3: {  	s29 =	simm.s32 $0x9;
	_ =	strace $0x8000004B  }
0xb4: {  	_ =	swait.ge [sflag:s29], $0x1  }
0xb5: {  	[sflag:s29] =	ssyncadd.s32 $0xFFFFFFFF  }
0xb6: {  	_ =	strace $0x9000004B  }
0xb7: {  	_ =	sfence  }
0xb8: {  	s30 =	sld [smem:$0x0];
	_ =	sdelay $0x2  }
0xb9: {  	s31 =	sshll.u32 s1, $0xD;
	s1 =	sshrl.u32 s1, $0x2  }
0xba: {  	s3 =	sand.u32 $0x4000, s31;
	s1 =	sadd.s32 s1, s30  }
0xbb: {  	s0 =	sor.u32 s3, s0;
	s1 =	sshll.u32 s1, $0x11  }
0xbc: {  	s0 =	sor.u32 s1, s0  }
0xbd: {  	s0 =	sadd.s32 $0x8F2B, s0  }
0xbe: {  	[sflag:s0] =	ssyncadd.remote.s32 $0x1  }
0xbf: {  	_ =	sfence.sel $0xFFFF  }
0xc0: {  	[dreg:$0x0] =	wrdreg $0xFFFFFFFF;
	(pc) =	sbr.abs _section_cstart, $3  }
0xc1: {  	[dreg:$0x1] =	wrdreg $0xFFFFFFFF  }
0xc2: {  	_ =	task.clear_ibuf [dreg:s7], $0x2FFFF;
	_ =	strace $0x9FFFFFFF  }
0xc3: {  	(tm) =	ssettm $0x7FFFFFFF  }
tec
execute0_lowered:
.L_overlay_start_1:
0x0: {  	(tag) =	ssettag $0x1  }
0x1: {  	s2 =	rddreg [dreg:$0x0]  }
0x2: {  	s6 =	rddreg [dreg:$0x1]  }
0x3: {  	s0 =	srdreg.scid;
	s3 =	rddreg [dreg:$0x2];
	s4 =	simm.s32 $0x0  }
0x4: {  	s14 =	simm.s32 $0x4F00;
	s5 =	sand.u32 $0x1, s0;
	s0 =	stileid.u32  }
0x5: {  	s15 =	simm.s32 $0x80;
	s16 =	simm.s32 $0xBE00;
	s8 =	smul.u32 $0x9E0, s0  }
0x6: {  	s17 =	simm.s32 $0x1;
	s18 =	simm.s32 $0x2;
	s9 =	smul.u32 $0x9E00, s0  }
0x7: {  	[smem:$0x7FF] =	sst s4;
	s1 =	sshll.u32 s5, $0x4;
	s10 =	smul.u32 $0x9E000, s5  }
0x8: {  	s11 =	smul.u32 $0x27800, s0;
	s5 =	ssub.s32 $0x2, s5;
	s19 =	sshll.u32 s0, $0x6  }
0x9: {  	s1 =	sor.u32 s0, s1;
	s29 =	sshrl.u32 s5, $0x1;
	s19 =	sor.u32 $0x1C03, s19  }
0xa: {  	s7 =	smul.u32 $0x9E0, s1;
	s1 =	rddreg [dreg:$0x3];
	_ =	strace $0x8000004A  }
0xb: {  	s13 =	sadd.s32 s8, s6;
	s25 =	sadd.s32 s9, s10;
	s26 =	sshrl.u32 s11, $0x2  }
0xc: {  	s31 =	ssub.s32 s5, s29;
	s5 =	sadd.s32 s9, s3;
	s30 =	sadd.s32 s26, s3  }
0xd: {  	s9 =	sadd.s32 $0x15A00, s13;
	s11 =	smax.u32 s31, $0x1;
	s13 =	simm.s32 $0x3  }
0xe: {  	s20 =	sshrl.u32 s5, $0x3;
	s12 =	sadd.s32 s7, s6;
	s7 =	sshrl.u32 s25, $0x3  }
0xf: {  	s28 =	sadd.s32 s7, s6;
	s6 =	sadd.s32 $0x4000, s30;
	s7 =	sadd.s32 $0x8000, s30  }
0x10: {  	v0 =	vimm.f32 $0.0e+00;
	s8 =	sadd.s32 $0x1E00, s12;
	s12 =	simm.s32 $0x9E00;
	s10 =	sadd.s32 $0x1F800, s28  }
.LBB2_1:
0x11: {  	s22 =	simm.s32 $0x100;
	s21 =	simm.s32 $0x0  }
.LBB2_2:
0x12: {  	p0 =	sne.s32 s22, $0xFF00;
	[tilespmem:s21+$0x9E30] =	vst v0;
	s23 =	smov.u32 s22;
	s22 =	sadd.s32 $0x100, s22  }
.Ltmp0:
0x13: {  	[tilespmem:s21+$0x9E20] =	vst v0;
	(pc) =	sbr.rel @p0 .LBB2_2-.Ltmp0, $3  }
0x14: {  	[tilespmem:s21+$0x9E00] =	vst v0  }
0x15: {  	[tilespmem:s21+$0x9E10] =	vst v0;
	_ =	sdelay $0x1  }
0x16: {  	s21 =	sshra.s32 s23, $0x2  }
0x17: {  	[tilespmem:s21+$0x9E30] =	vst v0  }
0x18: {  	[tilespmem:s21+$0x9E20] =	vst v0  }
0x19: {  	[tilespmem:s21+$0x9E00] =	vst v0  }
0x1a: {  	[tilespmem:s21+$0x9E10] =	vst v0  }
0x1b: {  	[spmem:s5] =	stream.linear.scatter [tilespmem:s12], [sflag:$0x3], $0x4000, $0x38;
	[tilespmem:$0x17C00] =	vst v63  }
0x1c: {  	_ =	swait.ge [sflag:s13], $0x4000  }
0x1d: {  	[sflag:s13] =	ssyncset.done $0x0  }
0x1e: {  	[sflag:s13] =	ssyncadd.s32 $0xFFFFC000  }
0x1f: {  	[spmem:s6] =	stream.linear.scatter [tilespmem:s12], [sflag:$0x3], $0x4000, $0x38;
	[tilespmem:$0x17C00] =	vst v63  }
0x20: {  	_ =	swait.ge [sflag:s13], $0x4000  }
0x21: {  	[sflag:s13] =	ssyncset.done $0x0  }
0x22: {  	[sflag:s13] =	ssyncadd.s32 $0xFFFFC000  }
0x23: {  	[spmem:s7] =	stream.linear.scatter [tilespmem:s12], [sflag:$0x3], $0x1E00, $0x38;
	[tilespmem:$0x17C00] =	vst v63  }
0x24: {  	_ =	swait.ge [sflag:s13], $0x1E00  }
0x25: {  	[sflag:s13] =	ssyncset.done $0x0  }
0x26: {  	s26 =	simm.s32 $0x0;
	[sflag:s13] =	ssyncadd.s32 $0xFFFFE200  }
0x27: {  	[tilespmem:s26], [sflag:$0x3] =	stream.linear.gather [hbm4b:s8+s26], $0x4F00, $0x38;
	[tilespmem:$0x17C00] =	vst v63  }
0x28: {  	_ =	swait.ge [sflag:s13], $0x4F00  }
0x29: {  	[sflag:s13] =	ssyncset.done $0x0  }
0x2a: {  	[sflag:s13] =	ssyncadd.s32 $0xFFFFB100  }
0x2b: {  	[tilespmem:s14], [sflag:$0x3] =	stream.linear.gather [hbm4b:s9+s26], $0x4F00, $0x38;
	[tilespmem:$0x17C00] =	vst v63  }
0x2c: {  	_ =	swait.ge [sflag:s13], $0x4F00  }
0x2d: {  	[sflag:s13] =	ssyncset.done $0x0  }
0x2e: {  	[sflag:s13] =	ssyncadd.s32 $0xFFFFB100  }
0x2f: {  	s28 =	simm.s32 $0x0;
	[bflag:$0x0] =	sbarrier.arrive $0xFFFF  }
0x30: {  	[tilespmem:s12], [sflag:$0x1] =	stream.indirect.gather [hbm4b:s2+s15], $0x40, s28, s15, $0xb8;
	[tilespmem:$0x17C00] =	vst v63  }
0x31: {  	s29 =	simm.s32 $0x80  }
0x32: {  	[tilespmem:s16], [sflag:$0x2] =	stream.indirect.gather [hbm4b:s2+s15], $0x40, s29, s15, $0xb8;
	[tilespmem:$0x17C00] =	vst v63  }
0x33: {  	_ =	swait.ge [sflag:s17], $0x2000  }
0x34: {  	[sflag:s17] =	ssyncset.done $0x0  }
0x35: {  	[sflag:s17] =	ssyncadd.s32 $0xFFFFE000  }
0x36: {  	_ =	swait.ge [sflag:s18], $0x2000  }
0x37: {  	[sflag:s18] =	ssyncset.done $0x0  }
0x38: {  	s30 =	simm.s32 $0x4F00;
	[sflag:s18] =	ssyncadd.s32 $0xFFFFE000  }
0x39: {  	[spmem:s3] =	stream.indirect.scatter.add.f32 [tilespmem:s12], [sflag:$0x3], $0x40, s30, s15, $0xb8;
	[tilespmem:$0x17C00] =	vst v63  }
0x3a: {  	_ =	swait.ge [sflag:s13], $0x2000  }
0x3b: {  	[sflag:s13] =	ssyncset.done $0x0  }
0x3c: {  	s31 =	simm.s32 $0x4F80;
	[sflag:s13] =	ssyncadd.s32 $0xFFFFE000  }
0x3d: {  	[spmem:s3] =	stream.indirect.scatter.add.f32 [tilespmem:s16], [sflag:$0x3], $0x40, s31, s15, $0xb8;
	[tilespmem:$0x17C00] =	vst v63  }
0x3e: {  	_ =	swait.ge [sflag:s13], $0x2000  }
0x3f: {  	s21 =	simm.s32 $0x400;
	s22 =	simm.s32 $0x800;
	[sflag:s13] =	ssyncset.done $0x0  }
.LBB2_4:
0x40: {  	s23 =	sshra.s32 s21, $0x2  }
0x41: {  	[sflag:s13] =	ssyncadd.s32 $0xFFFFE000;
	s21 =	smov.u32 s22;
	s24 =	sadd.s32 $0x400, s22  }
0x42: {  	[tilespmem:s12], [sflag:$0x1] =	stream.indirect.gather [hbm4b:s2+s15], $0x40, s23, s15, $0xb8;
	[tilespmem:$0x17C00] =	vst v63  }
0x43: {  	p0 =	sne.s32 s22, $0x13800;
	s22 =	sadd.s32 $0x80, s23  }
0x44: {  	[tilespmem:s16], [sflag:$0x2] =	stream.indirect.gather [hbm4b:s2+s15], $0x40, s22, s15, $0xb8;
	[tilespmem:$0x17C00] =	vst v63  }
0x45: {  	_ =	swait.ge [sflag:s17], $0x2000  }
0x46: {  	[sflag:s17] =	ssyncset.done $0x0  }
0x47: {  	[sflag:s17] =	ssyncadd.s32 $0xFFFFE000  }
0x48: {  	_ =	swait.ge [sflag:s18], $0x2000  }
0x49: {  	[sflag:s18] =	ssyncset.done $0x0  }
0x4a: {  	s22 =	sadd.s32 $0x4F00, s23;
	[sflag:s18] =	ssyncadd.s32 $0xFFFFE000  }
0x4b: {  	[spmem:s3] =	stream.indirect.scatter.add.f32 [tilespmem:s12], [sflag:$0x3], $0x40, s22, s15, $0xb8;
	[tilespmem:$0x17C00] =	vst v63  }
0x4c: {  	_ =	swait.ge [sflag:s13], $0x2000  }
.Ltmp1:
0x4d: {  	[sflag:s13] =	ssyncset.done $0x0;
	(pc) =	sbr.rel @p0 .LBB2_4-.Ltmp1, $4  }
0x4e: {  	s22 =	sadd.s32 $0x4F80, s23;
	[sflag:s13] =	ssyncadd.s32 $0xFFFFE000  }
0x4f: {  	[spmem:s3] =	stream.indirect.scatter.add.f32 [tilespmem:s16], [sflag:$0x3], $0x40, s22, s15, $0xb8;
	[tilespmem:$0x17C00] =	vst v63  }
0x50: {  	_ =	swait.ge [sflag:s13], $0x2000  }
0x51: {  	s22 =	smov.u32 s24;
	[sflag:s13] =	ssyncset.done $0x0  }
0x52: {  	s21 =	sshra.s32 s21, $0x2;
	[sflag:s13] =	ssyncadd.s32 $0xFFFFE000  }
0x53: {  	[tilespmem:s12], [sflag:$0x1] =	stream.indirect.gather [hbm4b:s2+s15], $0x40, s21, s15, $0xb8;
	[tilespmem:$0x17C00] =	vst v63  }
0x54: {  	s22 =	sadd.s32 $0x80, s21  }
0x55: {  	[tilespmem:s16], [sflag:$0x2] =	stream.indirect.gather [hbm4b:s2+s15], $0x40, s22, s15, $0xb8;
	[tilespmem:$0x17C00] =	vst v63  }
0x56: {  	_ =	swait.ge [sflag:s17], $0x2000  }
0x57: {  	[sflag:s17] =	ssyncset.done $0x0  }
0x58: {  	[sflag:s17] =	ssyncadd.s32 $0xFFFFE000  }
0x59: {  	_ =	swait.ge [sflag:s18], $0x2000  }
0x5a: {  	[sflag:s18] =	ssyncset.done $0x0  }
0x5b: {  	s31 =	sadd.s32 $0x4F00, s21;
	[sflag:s18] =	ssyncadd.s32 $0xFFFFE000  }
0x5c: {  	[spmem:s3] =	stream.indirect.scatter.add.f32 [tilespmem:s12], [sflag:$0x3], $0x40, s31, s15, $0xb8;
	[tilespmem:$0x17C00] =	vst v63  }
0x5d: {  	_ =	swait.ge [sflag:s13], $0x2000  }
0x5e: {  	[sflag:s13] =	ssyncset.done $0x0  }
0x5f: {  	s21 =	sadd.s32 $0x4F80, s21;
	[sflag:s13] =	ssyncadd.s32 $0xFFFFE000  }
0x60: {  	[spmem:s3] =	stream.indirect.scatter.add.f32 [tilespmem:s16], [sflag:$0x3], $0x40, s21, s15, $0xb8;
	[tilespmem:$0x17C00] =	vst v63  }
0x61: {  	_ =	swait.ge [sflag:s13], $0x2000  }
0x62: {  	s4 =	sadd.s32 $0x1, s4;
	[sflag:s13] =	ssyncset.done $0x0  }
0x63: {  	p0 =	sne.s32 s4, s11;
	[sflag:s13] =	ssyncadd.s32 $0xFFFFE000  }
.Ltmp2:
0x64: {  	[bflag:$0x0] =	sbarrier.arrive $0xFFFF;
	(pc) =	sbr.rel @p0 .LBB2_1-.Ltmp2, $4  }
0x65: {  	[hbm:s10], [sflag:s19] =	dma.local [spmem:s20], $0x13C0  }
0x66: {  	_ =	swait.ge [sflag:s13], $0x13C0  }
0x67: {  	[sflag:s13] =	ssyncset.done $0x0  }
0x68: {  	[sflag:s13] =	ssyncadd.s32 $0xFFFFEC40  }
0x69: {  	_ =	sfence.sel $0x180000  }
0x6a: {  	[bflag:$0x0] =	sbarrier.arrive $0xFFFF  }
0x6b: {  	p0 =	sne.s32 s0, $0x0;
	_ =	strace $0x9000004A  }
0x6c: {  	s0 =	sadd.s32 @!p0 $0x100000, s1;
	[bflag:$0x2] =	sbarrier.arrive $0xFFFF  }
0x6d: {  	[sflag:s0] =	ssyncadd.tile.s32 @!p0 $0x1;
	_ =	shalt  }
.Lfunc_end2:
_tile_overlayer_lowered:
.L_overlay_start_2:
0x6e: {  	(tag) =	ssettag $0x2  }
0x6f: {  	s0 =	rddreg [dreg:$0x0];
	s2 =	stileid.u32  }
0x70: {  	s1 =	rddreg [dreg:$0x1];
	p0 =	sne.s32 s2, $0x0  }
0x71: {  	s3 =	rddreg [dreg:$0x2];
	[bflag:$0x3] =	sbarrier.arrive $0xFFFF;
	s2 =	simm.s32 @!p0 $0x1C03  }
0x72: {  	[timem:s3], [sflag:s2] =	dma.local @!p0 [hbm:s0], s1  }
0x73: {  	s0 =	simm.s32 @!p0 $0x3  }
0x74: {  	_ =	swait.ge @!p0 [sflag:s0], s1  }
0x75: {  	s1 =	ssub.s32 @!p0 $0x0, s1;
	[sflag:s0] =	ssyncset.done @!p0 $0x0  }
0x76: {  	[sflag:s0] =	ssyncadd.s32 @!p0 s1  }
0x77: {  	[bflag:$0x3] =	sbarrier.arrive $0xFFFF  }
0x78: {  	_ =	shalt  }

</sc_bundles>
